<compile_context>
chip_gen: v7x
topology: tpu7x:2x2x1
jax: 0.10.2.dev20260603
libtpu: 0.0.44.dev20260713+nightly
codegen_flags: <defaults>
</compile_context>

<pallas_src>
import functools

import jax
import jax.numpy as jnp
from jax import lax
from jax.experimental import pallas as pl
from jax.experimental.pallas import tpu as pltpu
from jax.experimental.pallas import tpu_sc as plsc

N = 10000
H = 10000
D = 256
DH = 128
E_PAD = 163840
H_PAD = 12288
N_PAD = 10240
DUMMY_SEG = 10016

NC, NS = 2, 16
NW = NC * NS
CH3 = E_PAD // NS
KB = 64
NB = CH3 // KB
H_ACC = 10112
HROWS2 = H_ACC // NS
ZROWS = H_ACC // NS


def _k1_body(x_ref, w_ref, s_ref):
    x = x_ref[...]
    w = w_ref[...]
    s = jnp.sum(x * w[0][None, None, :], axis=2)
    s_ref[...] = s - jnp.max(s)


def _scores_tc(x3, w):
    return pl.pallas_call(
        _k1_body,
        out_shape=jax.ShapeDtypeStruct((N_PAD // 128, 128), jnp.float32),
    )(x3, w)


_MESH = plsc.VectorSubcoreMesh(core_axis_name="c", subcore_axis_name="s")


@functools.partial(
    pl.kernel,
    out_type=jax.ShapeDtypeStruct((E_PAD,), jnp.float32),
    mesh=_MESH,
    compiler_params=pltpu.CompilerParams(needs_layout_passes=False),
    scratch_types=[
        pltpu.VMEM((N_PAD,), jnp.float32),
        pltpu.VMEM((CH3 // 2,), jnp.int32),
        pltpu.VMEM((CH3 // 2,), jnp.int32),
        pltpu.VMEM((CH3,), jnp.float32),
        pltpu.VMEM((CH3,), jnp.int32),
        pltpu.VMEM((H_PAD // 128, 128), jnp.float32),
        pltpu.VMEM((H_PAD // 128,), jnp.int32),
        pltpu.VMEM((H_PAD // (128 * NS), 128), jnp.float32),
        pltpu.VMEM_SHARED((H_PAD // 128, 128), jnp.float32),
    ],
)
def _k2all(scores_hbm, nidxp_hbm, hidxp_hbm, attn_hbm,
           scores_v, nidxp_v, hidxp_v, ex_v, he_v, part_v, irow_v, zrow_v,
           seg_sh):
    cid = lax.axis_index("c")
    sid = lax.axis_index("s")
    tbase = sid * CH3
    nseg_rows = H_PAD // 128
    zr = nseg_rows // NS
    pltpu.sync_copy(scores_hbm, scores_v)
    pltpu.sync_copy(nidxp_hbm.at[sid], nidxp_v)
    pltpu.sync_copy(hidxp_hbm.at[sid], hidxp_v)

    zero = jnp.zeros((16,), jnp.float32)
    iota = lax.iota(jnp.int32, 16)
    for k in range(nseg_rows // 16):
        irow_v[pl.ds(k * 16, 16)] = iota + k * 16
    for r in range(zr):
        for k in range(8):
            zrow_v[r, pl.ds(k * 16, 16)] = zero
    pltpu.sync_copy(zrow_v, seg_sh.at[pl.ds(sid * zr, zr)])

    def pbody(i, _):
        part_v[i, pl.ds(0, 16)] = zero
        for k in range(1, 8):
            part_v[i, pl.ds(k * 16, 16)] = zero
        return 0

    lax.fori_loop(0, nseg_rows, pbody, 0)

    def abody(g, _):
        o = g * 16
        v = nidxp_v[pl.ds(o, 16)]
        w = hidxp_v[pl.ds(o, 16)]
        for half in range(2):
            if half == 0:
                n = v & 0xFFFF
                h = w & 0xFFFF
            else:
                n = lax.shift_right_logical(v, 16)
                h = lax.shift_right_logical(w, 16)
            s = plsc.load_gather(scores_v, [n])
            e = jnp.exp(s)
            eo = g * 32 + half * 16
            ex_v[pl.ds(eo, 16)] = e
            he_v[pl.ds(eo, 16)] = h
            plsc.addupdate_scatter(
                part_v, [lax.shift_right_logical(h, 7), h & 127], e)
        return 0

    lax.fori_loop(0, CH3 // 32, abody, 0)
    plsc.subcore_barrier()
    pltpu.sync_copy(part_v, seg_sh.at[irow_v], add=True)
    plsc.subcore_barrier()
    pltpu.sync_copy(seg_sh, part_v)

    def dbody(j, _):
        o = j * 16
        h = he_v[pl.ds(o, 16)]
        ssum = plsc.load_gather(
            part_v, [lax.shift_right_logical(h, 7), h & 127])
        ex_v[pl.ds(o, 16)] = ex_v[pl.ds(o, 16)] / ssum
        return 0

    lax.fori_loop(0, CH3 // 16, dbody, 0)

    @pl.when(cid == 0)
    def _():
        pltpu.sync_copy(ex_v, attn_hbm.at[pl.ds(tbase, CH3)])


@functools.partial(
    pl.kernel,
    out_type=jax.ShapeDtypeStruct((NC, H_ACC, DH), jnp.float32),
    mesh=_MESH,
    compiler_params=pltpu.CompilerParams(needs_layout_passes=False),
    scratch_types=[
        pltpu.VMEM((CH3 // 2,), jnp.int32),
        pltpu.VMEM((CH3 // 2,), jnp.int32),
        pltpu.VMEM((CH3,), jnp.float32),
        pltpu.VMEM((KB,), jnp.int32),
        pltpu.VMEM((KB,), jnp.int32),
        pltpu.VMEM((KB,), jnp.int32),
        pltpu.VMEM((KB,), jnp.int32),
        pltpu.VMEM((KB, DH), jnp.float32),
        pltpu.VMEM((KB, DH), jnp.float32),
        pltpu.VMEM_SHARED((H_ACC, DH), jnp.float32),
        pltpu.SemaphoreType.DMA,
        pltpu.SemaphoreType.DMA,
        pltpu.SemaphoreType.DMA,
        pltpu.SemaphoreType.DMA,
    ],
)
def _k3(feats_hbm, nidx16_hbm, hidx16_hbm, attn_hbm, zeros_hbm, out_hbm,
        nidx16_v, hidx16_v, attn_v, gi0, gi1, si0, si1,
        rows0_v, rows1_v, acc_sh, sg0, sg1, ss0, ss1):
    cid = lax.axis_index("c")
    sid = lax.axis_index("s")
    tbase = sid * CH3
    pltpu.sync_copy(nidx16_hbm.at[sid], nidx16_v)
    pltpu.sync_copy(hidx16_hbm.at[sid], hidx16_v)
    pltpu.sync_copy(attn_hbm.at[pl.ds(tbase, CH3)], attn_v)
    pltpu.sync_copy(zeros_hbm, acc_sh.at[pl.ds(sid * ZROWS, ZROWS)])

    off = (cid * N).astype(jnp.int32)
    zero32 = jnp.int32(0)

    def unpack16(src32, b, dst32, add):
        for g in range(KB // 32):
            v = src32[pl.ds(b * (KB // 2) + g * 16, 16)]
            lo = (v & 0xFFFF) + add
            hi = lax.shift_right_logical(v, 16) + add
            dst32[pl.ds(g * 32, 16)] = lo
            dst32[pl.ds(g * 32 + 16, 16)] = hi

    def start_gather(b, giv, rows_v, sem):
        unpack16(nidx16_v, b, giv, off)
        pltpu.async_copy(feats_hbm.at[giv], rows_v, sem)

    def wait_gather(giv, rows_v, sem):
        pltpu.make_async_copy(feats_hbm.at[giv], rows_v, sem).wait()

    def start_scatter(b, siv, rows_v, sem):
        unpack16(hidx16_v, b, siv, zero32)
        pltpu.async_copy(rows_v, acc_sh.at[siv], sem, add=True)

    def wait_scatter(siv, rows_v, sem):
        pltpu.make_async_copy(rows_v, acc_sh.at[siv], sem).wait()

    def scale(b, rows_v):
        ebase = b * KB

        def sbody(i, _):
            e = i * 2
            for u in range(2):
                a = plsc.load_gather(
                    attn_v,
                    [jnp.broadcast_to(ebase + e + u, (16,)).astype(jnp.int32)])
                for k in range(DH // 16):
                    rows_v[e + u, pl.ds(k * 16, 16)] = (
                        rows_v[e + u, pl.ds(k * 16, 16)] * a)
            return 0

        lax.fori_loop(0, KB // 2, sbody, 0)

    plsc.subcore_barrier()

    start_gather(0, gi0, rows0_v, sg0)
    start_gather(1, gi1, rows1_v, sg1)

    def body2(t, _):
        i0 = t * 2
        i1 = t * 2 + 1
        wait_gather(gi0, rows0_v, sg0)
        scale(i0, rows0_v)
        start_scatter(i0, si0, rows0_v, ss0)
        wait_gather(gi1, rows1_v, sg1)
        scale(i1, rows1_v)
        wait_scatter(si0, rows0_v, ss0)

        @pl.when(i0 + 2 < NB)
        def _():
            start_gather(i0 + 2, gi0, rows0_v, sg0)

        start_scatter(i1, si1, rows1_v, ss1)
        wait_scatter(si1, rows1_v, ss1)

        @pl.when(i1 + 2 < NB)
        def _():
            start_gather(i1 + 2, gi1, rows1_v, sg1)

        return 0

    lax.fori_loop(0, NB // 2, body2, 0)
    plsc.subcore_barrier()
    pltpu.sync_copy(acc_sh.at[pl.ds(sid * HROWS2, HROWS2)],
                    out_hbm.at[cid].at[pl.ds(sid * HROWS2, HROWS2)])


def kernel(node_feats, hyperedge_index, num_hyperedges, W):
    del num_hyperedges
    nidx = hyperedge_index[0].astype(jnp.int32)
    hidx = hyperedge_index[1].astype(jnp.int32)
    e = nidx.shape[0]
    pad = E_PAD - e
    nidx = jnp.pad(nidx, (0, pad))
    hidx = jnp.pad(hidx, (0, pad), constant_values=DUMMY_SEG)

    x3 = jnp.pad(node_feats, ((0, N_PAD - N), (0, 0))).reshape(
        N_PAD // 128, 128, D)
    scores = _scores_tc(x3, W).reshape(N_PAD)

    feats_cat = jnp.concatenate([node_feats[:, :DH], node_feats[:, DH:]],
                                axis=0)

    def pack16(x):
        t = x.reshape(NS, NB, KB // 32, 2, 16)
        return (t[:, :, :, 0, :] | (t[:, :, :, 1, :] << 16)).reshape(
            NS, CH3 // 2)

    nidxp = pack16(nidx)
    hidxp = pack16(hidx)
    attn = _k2all(scores, nidxp, hidxp)
    zeros = jnp.zeros((ZROWS, DH), jnp.float32)
    out2 = _k3(feats_cat, nidxp, hidxp, attn, zeros)
    return jnp.concatenate([out2[0, :H], out2[1, :H]], axis=1)

# --- scband reference (transcript-rebuilt; emitter-appended) ---
"""Pipeline reference for scband-learned-scalar-attention-pure-15040975470961 (READ-ONLY COPY).

The authoritative reference and input builder live on the scoring server;
editing this copy changes nothing except your own understanding.
"""

import jax, jax.numpy as jnp
import numpy as np


def setup_inputs(seed: int = 0) -> dict:
    key = jax.random.key(seed)
    k1, k2, k3 = jax.random.split(key, 3)
    N, E, H, D = 10000, 160000, 10000, 256
    node_feats = jax.random.normal(k1, (N, D), dtype=jnp.float32)
    hyperedge_index = jax.random.randint(k2, (2, E), 0, H, dtype=jnp.int64)
    # xavier_uniform init for attention_linear.weight of shape [1, D]
    limit = float(np.sqrt(6.0 / (D + 1)))
    W = jax.random.uniform(k3, (1, D), minval=-limit, maxval=limit, dtype=jnp.float32)
    return {"node_feats": node_feats, "hyperedge_index": hyperedge_index, "num_hyperedges": H, "W": W}


def reference(node_feats, hyperedge_index, num_hyperedges, W):
    node_idx = hyperedge_index[0]
    he_idx = hyperedge_index[1]
    gathered = node_feats[node_idx]                      # [E, D] gather
    scores = (gathered @ W.T).squeeze(-1)                # [E] attention scores
    num_segments_static = 10000
    # per-hyperedge softmax (numerically stable, matches torch.softmax per segment)
    seg_max = jax.ops.segment_max(scores, he_idx, num_segments=num_segments_static)
    ex = jnp.exp(scores - seg_max[he_idx])
    seg_sum = jax.ops.segment_sum(ex, he_idx, num_segments=num_segments_static)
    attn = ex / seg_sum[he_idx]
    weighted = attn[:, None] * gathered                  # [E, D]
    out = jax.ops.segment_sum(weighted, he_idx, num_segments=num_segments_static)  # [H, D]; empty hyperedges -> zeros, matching torch loop
    out = jnp.where(jnp.asarray(num_hyperedges) == num_segments_static, out, out)
    return out

if __name__ == "__main__":
    import jax
    _d = setup_inputs()
    print(jax.jit(kernel)(*tuple(_d.values())))

</pallas_src>

<mosaic_0001>
#map = affine_map<(d0, d1) -> (0)>
#map1 = affine_map<(d0, d1) -> (0, 0)>
module attributes {stable_mosaic.version = 14 : i64} {
  func.func @_k2all(%arg0: i32, %arg1: i32, %arg2: memref<10240xf32, #tpu.memory_space<hbm>>, %arg3: memref<16x5120xi32, #tpu.memory_space<hbm>>, %arg4: memref<16x5120xi32, #tpu.memory_space<hbm>>, %arg5: memref<163840xf32, #tpu.memory_space<hbm>>, %arg6: memref<10240xf32, #tpu.memory_space<vmem>>, %arg7: memref<5120xi32, #tpu.memory_space<vmem>>, %arg8: memref<5120xi32, #tpu.memory_space<vmem>>, %arg9: memref<10240xf32, #tpu.memory_space<vmem>>, %arg10: memref<10240xi32, #tpu.memory_space<vmem>>, %arg11: memref<96x128xf32, #tpu.memory_space<vmem>>, %arg12: memref<96xi32, #tpu.memory_space<vmem>>, %arg13: memref<6x128xf32, #tpu.memory_space<vmem>>, %arg14: memref<96x128xf32, #tpu.memory_space<vmem_shared>>) attributes {dimension_semantics = [#tpu.dimension_semantics<core_parallel>, #tpu.dimension_semantics<subcore_parallel>], iteration_bounds = array<i64: 2, 16>, scalar_prefetch = 0 : i64, scratch_operands = 9 : i64, tpu.core_type = #tpu.core_type<sc_vector_subcore>, window_params = [{transform_indices = #map}, {transform_indices = #map1}, {transform_indices = #map1}, {transform_indices = #map}]} {
    %mul3A = arith.constant 10240 : i32
    %mul3A_0 = arith.muli %arg1, %mul3A : i32
    "tpu.region"() ({
      %run_scoped3A = tpu.sem_alloc : memref<!tpu.dma_semaphore, #tpu.memory_space<semaphore_mem>>
      tpu.enqueue_dma source(%arg2 : memref<10240xf32, #tpu.memory_space<hbm>>) target(%arg6 : memref<10240xf32, #tpu.memory_space<vmem>>) target_semaphore(%run_scoped3A : memref<!tpu.dma_semaphore, #tpu.memory_space<semaphore_mem>>)
      tpu.wait_dma2 semaphore(%run_scoped3A : memref<!tpu.dma_semaphore, #tpu.memory_space<semaphore_mem>>) src(%arg2 : memref<10240xf32, #tpu.memory_space<hbm>>) dst(%arg6 : memref<10240xf32, #tpu.memory_space<vmem>>)
      tpu.yield
    }) : () -> ()
    "tpu.region"() ({
      %run_scoped3A = tpu.sem_alloc : memref<!tpu.dma_semaphore, #tpu.memory_space<semaphore_mem>>
      %dma_start3A = arith.constant 0 : i32
      %dma_start3A_247 = tpu.memref_slice %arg3[%arg1, %dma_start3A] : memref<16x5120xi32, #tpu.memory_space<hbm>> -> memref<1x5120xi32, #tpu.memory_space<hbm>>
      %dma_start3A_248 = tpu.memref_squeeze %dma_start3A_247 : memref<1x5120xi32, #tpu.memory_space<hbm>> -> memref<5120xi32, #tpu.memory_space<hbm>>
      %dma_start3A_249 = arith.constant 0 : i32
      %dma_start3A_250 = tpu.memref_slice %arg3[%arg1, %dma_start3A_249] : memref<16x5120xi32, #tpu.memory_space<hbm>> -> memref<1x5120xi32, #tpu.memory_space<hbm>>
      %dma_start3A_251 = tpu.memref_squeeze %dma_start3A_250 : memref<1x5120xi32, #tpu.memory_space<hbm>> -> memref<5120xi32, #tpu.memory_space<hbm>>
      tpu.enqueue_dma source(%dma_start3A_251 : memref<5120xi32, #tpu.memory_space<hbm>>) target(%arg7 : memref<5120xi32, #tpu.memory_space<vmem>>) target_semaphore(%run_scoped3A : memref<!tpu.dma_semaphore, #tpu.memory_space<semaphore_mem>>)
      %dma_wait3A = arith.constant 0 : i32
      %dma_wait3A_252 = tpu.memref_slice %arg3[%arg1, %dma_wait3A] : memref<16x5120xi32, #tpu.memory_space<hbm>> -> memref<1x5120xi32, #tpu.memory_space<hbm>>
      %dma_wait3A_253 = tpu.memref_squeeze %dma_wait3A_252 : memref<1x5120xi32, #tpu.memory_space<hbm>> -> memref<5120xi32, #tpu.memory_space<hbm>>
      %dma_wait3A_254 = arith.constant 0 : i32
      %dma_wait3A_255 = tpu.memref_slice %arg3[%arg1, %dma_wait3A_254] : memref<16x5120xi32, #tpu.memory_space<hbm>> -> memref<1x5120xi32, #tpu.memory_space<hbm>>
      %dma_wait3A_256 = tpu.memref_squeeze %dma_wait3A_255 : memref<1x5120xi32, #tpu.memory_space<hbm>> -> memref<5120xi32, #tpu.memory_space<hbm>>
      tpu.wait_dma2 semaphore(%run_scoped3A : memref<!tpu.dma_semaphore, #tpu.memory_space<semaphore_mem>>) src(%dma_wait3A_256 : memref<5120xi32, #tpu.memory_space<hbm>>) dst(%arg7 : memref<5120xi32, #tpu.memory_space<vmem>>)
      tpu.yield
    }) : () -> ()
    "tpu.region"() ({
      %run_scoped3A = tpu.sem_alloc : memref<!tpu.dma_semaphore, #tpu.memory_space<semaphore_mem>>
      %dma_start3A = arith.constant 0 : i32
      %dma_start3A_247 = tpu.memref_slice %arg4[%arg1, %dma_start3A] : memref<16x5120xi32, #tpu.memory_space<hbm>> -> memref<1x5120xi32, #tpu.memory_space<hbm>>
      %dma_start3A_248 = tpu.memref_squeeze %dma_start3A_247 : memref<1x5120xi32, #tpu.memory_space<hbm>> -> memref<5120xi32, #tpu.memory_space<hbm>>
      %dma_start3A_249 = arith.constant 0 : i32
      %dma_start3A_250 = tpu.memref_slice %arg4[%arg1, %dma_start3A_249] : memref<16x5120xi32, #tpu.memory_space<hbm>> -> memref<1x5120xi32, #tpu.memory_space<hbm>>
      %dma_start3A_251 = tpu.memref_squeeze %dma_start3A_250 : memref<1x5120xi32, #tpu.memory_space<hbm>> -> memref<5120xi32, #tpu.memory_space<hbm>>
      tpu.enqueue_dma source(%dma_start3A_251 : memref<5120xi32, #tpu.memory_space<hbm>>) target(%arg8 : memref<5120xi32, #tpu.memory_space<vmem>>) target_semaphore(%run_scoped3A : memref<!tpu.dma_semaphore, #tpu.memory_space<semaphore_mem>>)
      %dma_wait3A = arith.constant 0 : i32
      %dma_wait3A_252 = tpu.memref_slice %arg4[%arg1, %dma_wait3A] : memref<16x5120xi32, #tpu.memory_space<hbm>> -> memref<1x5120xi32, #tpu.memory_space<hbm>>
      %dma_wait3A_253 = tpu.memref_squeeze %dma_wait3A_252 : memref<1x5120xi32, #tpu.memory_space<hbm>> -> memref<5120xi32, #tpu.memory_space<hbm>>
      %dma_wait3A_254 = arith.constant 0 : i32
      %dma_wait3A_255 = tpu.memref_slice %arg4[%arg1, %dma_wait3A_254] : memref<16x5120xi32, #tpu.memory_space<hbm>> -> memref<1x5120xi32, #tpu.memory_space<hbm>>
      %dma_wait3A_256 = tpu.memref_squeeze %dma_wait3A_255 : memref<1x5120xi32, #tpu.memory_space<hbm>> -> memref<5120xi32, #tpu.memory_space<hbm>>
      tpu.wait_dma2 semaphore(%run_scoped3A : memref<!tpu.dma_semaphore, #tpu.memory_space<semaphore_mem>>) src(%dma_wait3A_256 : memref<5120xi32, #tpu.memory_space<hbm>>) dst(%arg8 : memref<5120xi32, #tpu.memory_space<vmem>>)
      tpu.yield
    }) : () -> ()
    %broadcast_in_dim3A = arith.constant 0.000000e+00 : f32
    %broadcast_in_dim3A_1 = vector.broadcast %broadcast_in_dim3A : f32 to vector<16xf32>
    %iota3A = tpu.iota {dimensions = array<i32: 0>} : vector<16xi32>
    %add3A = arith.constant 0 : i32
    %add3A_2 = vector.broadcast %add3A : i32 to vector<16xi32>
    %add3A_3 = arith.addi %iota3A, %add3A_2 : vector<16xi32>
    %swap3A = arith.constant 0 : index
    %swap3A_4 = tpu.vector_load %arg12[%swap3A] {strides = array<i32>} : memref<96xi32, #tpu.memory_space<vmem>>, vector<16xi32>,
    tpu.vector_store %arg12[%swap3A], %add3A_3 {strides = array<i32>} : memref<96xi32, #tpu.memory_space<vmem>>, vector<16xi32>,
    %add3A_5 = arith.constant 16 : i32
    %add3A_6 = vector.broadcast %add3A_5 : i32 to vector<16xi32>
    %add3A_7 = arith.addi %iota3A, %add3A_6 : vector<16xi32>
    %swap3A_8 = arith.constant 16 : index
    %swap3A_9 = tpu.vector_load %arg12[%swap3A_8] {strides = array<i32>} : memref<96xi32, #tpu.memory_space<vmem>>, vector<16xi32>,
    tpu.vector_store %arg12[%swap3A_8], %add3A_7 {strides = array<i32>} : memref<96xi32, #tpu.memory_space<vmem>>, vector<16xi32>,
    %add3A_10 = arith.constant 32 : i32
    %add3A_11 = vector.broadcast %add3A_10 : i32 to vector<16xi32>
    %add3A_12 = arith.addi %iota3A, %add3A_11 : vector<16xi32>
    %swap3A_13 = arith.constant 32 : index
    %swap3A_14 = tpu.vector_load %arg12[%swap3A_13] {strides = array<i32>} : memref<96xi32, #tpu.memory_space<vmem>>, vector<16xi32>,
    tpu.vector_store %arg12[%swap3A_13], %add3A_12 {strides = array<i32>} : memref<96xi32, #tpu.memory_space<vmem>>, vector<16xi32>,
    %add3A_15 = arith.constant 48 : i32
    %add3A_16 = vector.broadcast %add3A_15 : i32 to vector<16xi32>
    %add3A_17 = arith.addi %iota3A, %add3A_16 : vector<16xi32>
    %swap3A_18 = arith.constant 48 : index
    %swap3A_19 = tpu.vector_load %arg12[%swap3A_18] {strides = array<i32>} : memref<96xi32, #tpu.memory_space<vmem>>, vector<16xi32>,
    tpu.vector_store %arg12[%swap3A_18], %add3A_17 {strides = array<i32>} : memref<96xi32, #tpu.memory_space<vmem>>, vector<16xi32>,
    %add3A_20 = arith.constant 64 : i32
    %add3A_21 = vector.broadcast %add3A_20 : i32 to vector<16xi32>
    %add3A_22 = arith.addi %iota3A, %add3A_21 : vector<16xi32>
    %swap3A_23 = arith.constant 64 : index
    %swap3A_24 = tpu.vector_load %arg12[%swap3A_23] {strides = array<i32>} : memref<96xi32, #tpu.memory_space<vmem>>, vector<16xi32>,
    tpu.vector_store %arg12[%swap3A_23], %add3A_22 {strides = array<i32>} : memref<96xi32, #tpu.memory_space<vmem>>, vector<16xi32>,
    %add3A_25 = arith.constant 80 : i32
    %add3A_26 = vector.broadcast %add3A_25 : i32 to vector<16xi32>
    %add3A_27 = arith.addi %iota3A, %add3A_26 : vector<16xi32>
    %swap3A_28 = arith.constant 80 : index
    %swap3A_29 = tpu.vector_load %arg12[%swap3A_28] {strides = array<i32>} : memref<96xi32, #tpu.memory_space<vmem>>, vector<16xi32>,
    tpu.vector_store %arg12[%swap3A_28], %add3A_27 {strides = array<i32>} : memref<96xi32, #tpu.memory_space<vmem>>, vector<16xi32>,
    %swap3A_30 = arith.constant 0 : i32
    %swap3A_31 = arith.index_cast %swap3A_30 : i32 to index
    %swap3A_32 = arith.constant 0 : index
    %swap3A_33 = tpu.vector_load %arg13[%swap3A_31, %swap3A_32] {strides = array<i32>} : memref<6x128xf32, #tpu.memory_space<vmem>>, vector<16xf32>,
    tpu.vector_store %arg13[%swap3A_31, %swap3A_32], %broadcast_in_dim3A_1 {strides = array<i32>} : memref<6x128xf32, #tpu.memory_space<vmem>>, vector<16xf32>,
    %swap3A_34 = arith.constant 0 : i32
    %swap3A_35 = arith.index_cast %swap3A_34 : i32 to index
    %swap3A_36 = arith.constant 16 : index
    %swap3A_37 = tpu.vector_load %arg13[%swap3A_35, %swap3A_36] {strides = array<i32>} : memref<6x128xf32, #tpu.memory_space<vmem>>, vector<16xf32>,
    tpu.vector_store %arg13[%swap3A_35, %swap3A_36], %broadcast_in_dim3A_1 {strides = array<i32>} : memref<6x128xf32, #tpu.memory_space<vmem>>, vector<16xf32>,
    %swap3A_38 = arith.constant 0 : i32
    %swap3A_39 = arith.index_cast %swap3A_38 : i32 to index
    %swap3A_40 = arith.constant 32 : index
    %swap3A_41 = tpu.vector_load %arg13[%swap3A_39, %swap3A_40] {strides = array<i32>} : memref<6x128xf32, #tpu.memory_space<vmem>>, vector<16xf32>,
    tpu.vector_store %arg13[%swap3A_39, %swap3A_40], %broadcast_in_dim3A_1 {strides = array<i32>} : memref<6x128xf32, #tpu.memory_space<vmem>>, vector<16xf32>,
    %swap3A_42 = arith.constant 0 : i32
    %swap3A_43 = arith.index_cast %swap3A_42 : i32 to index
    %swap3A_44 = arith.constant 48 : index
    %swap3A_45 = tpu.vector_load %arg13[%swap3A_43, %swap3A_44] {strides = array<i32>} : memref<6x128xf32, #tpu.memory_space<vmem>>, vector<16xf32>,
    tpu.vector_store %arg13[%swap3A_43, %swap3A_44], %broadcast_in_dim3A_1 {strides = array<i32>} : memref<6x128xf32, #tpu.memory_space<vmem>>, vector<16xf32>,
    %swap3A_46 = arith.constant 0 : i32
    %swap3A_47 = arith.index_cast %swap3A_46 : i32 to index
    %swap3A_48 = arith.constant 64 : index
    %swap3A_49 = tpu.vector_load %arg13[%swap3A_47, %swap3A_48] {strides = array<i32>} : memref<6x128xf32, #tpu.memory_space<vmem>>, vector<16xf32>,
    tpu.vector_store %arg13[%swap3A_47, %swap3A_48], %broadcast_in_dim3A_1 {strides = array<i32>} : memref<6x128xf32, #tpu.memory_space<vmem>>, vector<16xf32>,
    %swap3A_50 = arith.constant 0 : i32
    %swap3A_51 = arith.index_cast %swap3A_50 : i32 to index
    %swap3A_52 = arith.constant 80 : index
    %swap3A_53 = tpu.vector_load %arg13[%swap3A_51, %swap3A_52] {strides = array<i32>} : memref<6x128xf32, #tpu.memory_space<vmem>>, vector<16xf32>,
    tpu.vector_store %arg13[%swap3A_51, %swap3A_52], %broadcast_in_dim3A_1 {strides = array<i32>} : memref<6x128xf32, #tpu.memory_space<vmem>>, vector<16xf32>,
    %swap3A_54 = arith.constant 0 : i32
    %swap3A_55 = arith.index_cast %swap3A_54 : i32 to index
    %swap3A_56 = arith.constant 96 : index
    %swap3A_57 = tpu.vector_load %arg13[%swap3A_55, %swap3A_56] {strides = array<i32>} : memref<6x128xf32, #tpu.memory_space<vmem>>, vector<16xf32>,
    tpu.vector_store %arg13[%swap3A_55, %swap3A_56], %broadcast_in_dim3A_1 {strides = array<i32>} : memref<6x128xf32, #tpu.memory_space<vmem>>, vector<16xf32>,
    %swap3A_58 = arith.constant 0 : i32
    %swap3A_59 = arith.index_cast %swap3A_58 : i32 to index
    %swap3A_60 = arith.constant 112 : index
    %swap3A_61 = tpu.vector_load %arg13[%swap3A_59, %swap3A_60] {strides = array<i32>} : memref<6x128xf32, #tpu.memory_space<vmem>>, vector<16xf32>,
    tpu.vector_store %arg13[%swap3A_59, %swap3A_60], %broadcast_in_dim3A_1 {strides = array<i32>} : memref<6x128xf32, #tpu.memory_space<vmem>>, vector<16xf32>,
    %swap3A_62 = arith.constant 1 : i32
    %swap3A_63 = arith.index_cast %swap3A_62 : i32 to index
    %swap3A_64 = arith.constant 0 : index
    %swap3A_65 = tpu.vector_load %arg13[%swap3A_63, %swap3A_64] {strides = array<i32>} : memref<6x128xf32, #tpu.memory_space<vmem>>, vector<16xf32>,
    tpu.vector_store %arg13[%swap3A_63, %swap3A_64], %broadcast_in_dim3A_1 {strides = array<i32>} : memref<6x128xf32, #tpu.memory_space<vmem>>, vector<16xf32>,
    %swap3A_66 = arith.constant 1 : i32
    %swap3A_67 = arith.index_cast %swap3A_66 : i32 to index
    %swap3A_68 = arith.constant 16 : index
    %swap3A_69 = tpu.vector_load %arg13[%swap3A_67, %swap3A_68] {strides = array<i32>} : memref<6x128xf32, #tpu.memory_space<vmem>>, vector<16xf32>,
    tpu.vector_store %arg13[%swap3A_67, %swap3A_68], %broadcast_in_dim3A_1 {strides = array<i32>} : memref<6x128xf32, #tpu.memory_space<vmem>>, vector<16xf32>,
    %swap3A_70 = arith.constant 1 : i32
    %swap3A_71 = arith.index_cast %swap3A_70 : i32 to index
    %swap3A_72 = arith.constant 32 : index
    %swap3A_73 = tpu.vector_load %arg13[%swap3A_71, %swap3A_72] {strides = array<i32>} : memref<6x128xf32, #tpu.memory_space<vmem>>, vector<16xf32>,
    tpu.vector_store %arg13[%swap3A_71, %swap3A_72], %broadcast_in_dim3A_1 {strides = array<i32>} : memref<6x128xf32, #tpu.memory_space<vmem>>, vector<16xf32>,
    %swap3A_74 = arith.constant 1 : i32
    %swap3A_75 = arith.index_cast %swap3A_74 : i32 to index
    %swap3A_76 = arith.constant 48 : index
    %swap3A_77 = tpu.vector_load %arg13[%swap3A_75, %swap3A_76] {strides = array<i32>} : memref<6x128xf32, #tpu.memory_space<vmem>>, vector<16xf32>,
    tpu.vector_store %arg13[%swap3A_75, %swap3A_76], %broadcast_in_dim3A_1 {strides = array<i32>} : memref<6x128xf32, #tpu.memory_space<vmem>>, vector<16xf32>,
    %swap3A_78 = arith.constant 1 : i32
    %swap3A_79 = arith.index_cast %swap3A_78 : i32 to index
    %swap3A_80 = arith.constant 64 : index
    %swap3A_81 = tpu.vector_load %arg13[%swap3A_79, %swap3A_80] {strides = array<i32>} : memref<6x128xf32, #tpu.memory_space<vmem>>, vector<16xf32>,
    tpu.vector_store %arg13[%swap3A_79, %swap3A_80], %broadcast_in_dim3A_1 {strides = array<i32>} : memref<6x128xf32, #tpu.memory_space<vmem>>, vector<16xf32>,
    %swap3A_82 = arith.constant 1 : i32
    %swap3A_83 = arith.index_cast %swap3A_82 : i32 to index
    %swap3A_84 = arith.constant 80 : index
    %swap3A_85 = tpu.vector_load %arg13[%swap3A_83, %swap3A_84] {strides = array<i32>} : memref<6x128xf32, #tpu.memory_space<vmem>>, vector<16xf32>,
    tpu.vector_store %arg13[%swap3A_83, %swap3A_84], %broadcast_in_dim3A_1 {strides = array<i32>} : memref<6x128xf32, #tpu.memory_space<vmem>>, vector<16xf32>,
    %swap3A_86 = arith.constant 1 : i32
    %swap3A_87 = arith.index_cast %swap3A_86 : i32 to index
    %swap3A_88 = arith.constant 96 : index
    %swap3A_89 = tpu.vector_load %arg13[%swap3A_87, %swap3A_88] {strides = array<i32>} : memref<6x128xf32, #tpu.memory_space<vmem>>, vector<16xf32>,
    tpu.vector_store %arg13[%swap3A_87, %swap3A_88], %broadcast_in_dim3A_1 {strides = array<i32>} : memref<6x128xf32, #tpu.memory_space<vmem>>, vector<16xf32>,
    %swap3A_90 = arith.constant 1 : i32
    %swap3A_91 = arith.index_cast %swap3A_90 : i32 to index
    %swap3A_92 = arith.constant 112 : index
    %swap3A_93 = tpu.vector_load %arg13[%swap3A_91, %swap3A_92] {strides = array<i32>} : memref<6x128xf32, #tpu.memory_space<vmem>>, vector<16xf32>,
    tpu.vector_store %arg13[%swap3A_91, %swap3A_92], %broadcast_in_dim3A_1 {strides = array<i32>} : memref<6x128xf32, #tpu.memory_space<vmem>>, vector<16xf32>,
    %swap3A_94 = arith.constant 2 : i32
    %swap3A_95 = arith.index_cast %swap3A_94 : i32 to index
    %swap3A_96 = arith.constant 0 : index
    %swap3A_97 = tpu.vector_load %arg13[%swap3A_95, %swap3A_96] {strides = array<i32>} : memref<6x128xf32, #tpu.memory_space<vmem>>, vector<16xf32>,
    tpu.vector_store %arg13[%swap3A_95, %swap3A_96], %broadcast_in_dim3A_1 {strides = array<i32>} : memref<6x128xf32, #tpu.memory_space<vmem>>, vector<16xf32>,
    %swap3A_98 = arith.constant 2 : i32
    %swap3A_99 = arith.index_cast %swap3A_98 : i32 to index
    %swap3A_100 = arith.constant 16 : index
    %swap3A_101 = tpu.vector_load %arg13[%swap3A_99, %swap3A_100] {strides = array<i32>} : memref<6x128xf32, #tpu.memory_space<vmem>>, vector<16xf32>,
    tpu.vector_store %arg13[%swap3A_99, %swap3A_100], %broadcast_in_dim3A_1 {strides = array<i32>} : memref<6x128xf32, #tpu.memory_space<vmem>>, vector<16xf32>,
    %swap3A_102 = arith.constant 2 : i32
    %swap3A_103 = arith.index_cast %swap3A_102 : i32 to index
    %swap3A_104 = arith.constant 32 : index
    %swap3A_105 = tpu.vector_load %arg13[%swap3A_103, %swap3A_104] {strides = array<i32>} : memref<6x128xf32, #tpu.memory_space<vmem>>, vector<16xf32>,
    tpu.vector_store %arg13[%swap3A_103, %swap3A_104], %broadcast_in_dim3A_1 {strides = array<i32>} : memref<6x128xf32, #tpu.memory_space<vmem>>, vector<16xf32>,
    %swap3A_106 = arith.constant 2 : i32
    %swap3A_107 = arith.index_cast %swap3A_106 : i32 to index
    %swap3A_108 = arith.constant 48 : index
    %swap3A_109 = tpu.vector_load %arg13[%swap3A_107, %swap3A_108] {strides = array<i32>} : memref<6x128xf32, #tpu.memory_space<vmem>>, vector<16xf32>,
    tpu.vector_store %arg13[%swap3A_107, %swap3A_108], %broadcast_in_dim3A_1 {strides = array<i32>} : memref<6x128xf32, #tpu.memory_space<vmem>>, vector<16xf32>,
    %swap3A_110 = arith.constant 2 : i32
    %swap3A_111 = arith.index_cast %swap3A_110 : i32 to index
    %swap3A_112 = arith.constant 64 : index
    %swap3A_113 = tpu.vector_load %arg13[%swap3A_111, %swap3A_112] {strides = array<i32>} : memref<6x128xf32, #tpu.memory_space<vmem>>, vector<16xf32>,
    tpu.vector_store %arg13[%swap3A_111, %swap3A_112], %broadcast_in_dim3A_1 {strides = array<i32>} : memref<6x128xf32, #tpu.memory_space<vmem>>, vector<16xf32>,
    %swap3A_114 = arith.constant 2 : i32
    %swap3A_115 = arith.index_cast %swap3A_114 : i32 to index
    %swap3A_116 = arith.constant 80 : index
    %swap3A_117 = tpu.vector_load %arg13[%swap3A_115, %swap3A_116] {strides = array<i32>} : memref<6x128xf32, #tpu.memory_space<vmem>>, vector<16xf32>,
    tpu.vector_store %arg13[%swap3A_115, %swap3A_116], %broadcast_in_dim3A_1 {strides = array<i32>} : memref<6x128xf32, #tpu.memory_space<vmem>>, vector<16xf32>,
    %swap3A_118 = arith.constant 2 : i32
    %swap3A_119 = arith.index_cast %swap3A_118 : i32 to index
    %swap3A_120 = arith.constant 96 : index
    %swap3A_121 = tpu.vector_load %arg13[%swap3A_119, %swap3A_120] {strides = array<i32>} : memref<6x128xf32, #tpu.memory_space<vmem>>, vector<16xf32>,
    tpu.vector_store %arg13[%swap3A_119, %swap3A_120], %broadcast_in_dim3A_1 {strides = array<i32>} : memref<6x128xf32, #tpu.memory_space<vmem>>, vector<16xf32>,
    %swap3A_122 = arith.constant 2 : i32
    %swap3A_123 = arith.index_cast %swap3A_122 : i32 to index
    %swap3A_124 = arith.constant 112 : index
    %swap3A_125 = tpu.vector_load %arg13[%swap3A_123, %swap3A_124] {strides = array<i32>} : memref<6x128xf32, #tpu.memory_space<vmem>>, vector<16xf32>,
    tpu.vector_store %arg13[%swap3A_123, %swap3A_124], %broadcast_in_dim3A_1 {strides = array<i32>} : memref<6x128xf32, #tpu.memory_space<vmem>>, vector<16xf32>,
    %swap3A_126 = arith.constant 3 : i32
    %swap3A_127 = arith.index_cast %swap3A_126 : i32 to index
    %swap3A_128 = arith.constant 0 : index
    %swap3A_129 = tpu.vector_load %arg13[%swap3A_127, %swap3A_128] {strides = array<i32>} : memref<6x128xf32, #tpu.memory_space<vmem>>, vector<16xf32>,
    tpu.vector_store %arg13[%swap3A_127, %swap3A_128], %broadcast_in_dim3A_1 {strides = array<i32>} : memref<6x128xf32, #tpu.memory_space<vmem>>, vector<16xf32>,
    %swap3A_130 = arith.constant 3 : i32
    %swap3A_131 = arith.index_cast %swap3A_130 : i32 to index
    %swap3A_132 = arith.constant 16 : index
    %swap3A_133 = tpu.vector_load %arg13[%swap3A_131, %swap3A_132] {strides = array<i32>} : memref<6x128xf32, #tpu.memory_space<vmem>>, vector<16xf32>,
    tpu.vector_store %arg13[%swap3A_131, %swap3A_132], %broadcast_in_dim3A_1 {strides = array<i32>} : memref<6x128xf32, #tpu.memory_space<vmem>>, vector<16xf32>,
    %swap3A_134 = arith.constant 3 : i32
    %swap3A_135 = arith.index_cast %swap3A_134 : i32 to index
    %swap3A_136 = arith.constant 32 : index
    %swap3A_137 = tpu.vector_load %arg13[%swap3A_135, %swap3A_136] {strides = array<i32>} : memref<6x128xf32, #tpu.memory_space<vmem>>, vector<16xf32>,
    tpu.vector_store %arg13[%swap3A_135, %swap3A_136], %broadcast_in_dim3A_1 {strides = array<i32>} : memref<6x128xf32, #tpu.memory_space<vmem>>, vector<16xf32>,
    %swap3A_138 = arith.constant 3 : i32
    %swap3A_139 = arith.index_cast %swap3A_138 : i32 to index
    %swap3A_140 = arith.constant 48 : index
    %swap3A_141 = tpu.vector_load %arg13[%swap3A_139, %swap3A_140] {strides = array<i32>} : memref<6x128xf32, #tpu.memory_space<vmem>>, vector<16xf32>,
    tpu.vector_store %arg13[%swap3A_139, %swap3A_140], %broadcast_in_dim3A_1 {strides = array<i32>} : memref<6x128xf32, #tpu.memory_space<vmem>>, vector<16xf32>,
    %swap3A_142 = arith.constant 3 : i32
    %swap3A_143 = arith.index_cast %swap3A_142 : i32 to index
    %swap3A_144 = arith.constant 64 : index
    %swap3A_145 = tpu.vector_load %arg13[%swap3A_143, %swap3A_144] {strides = array<i32>} : memref<6x128xf32, #tpu.memory_space<vmem>>, vector<16xf32>,
    tpu.vector_store %arg13[%swap3A_143, %swap3A_144], %broadcast_in_dim3A_1 {strides = array<i32>} : memref<6x128xf32, #tpu.memory_space<vmem>>, vector<16xf32>,
    %swap3A_146 = arith.constant 3 : i32
    %swap3A_147 = arith.index_cast %swap3A_146 : i32 to index
    %swap3A_148 = arith.constant 80 : index
    %swap3A_149 = tpu.vector_load %arg13[%swap3A_147, %swap3A_148] {strides = array<i32>} : memref<6x128xf32, #tpu.memory_space<vmem>>, vector<16xf32>,
    tpu.vector_store %arg13[%swap3A_147, %swap3A_148], %broadcast_in_dim3A_1 {strides = array<i32>} : memref<6x128xf32, #tpu.memory_space<vmem>>, vector<16xf32>,
    %swap3A_150 = arith.constant 3 : i32
    %swap3A_151 = arith.index_cast %swap3A_150 : i32 to index
    %swap3A_152 = arith.constant 96 : index
    %swap3A_153 = tpu.vector_load %arg13[%swap3A_151, %swap3A_152] {strides = array<i32>} : memref<6x128xf32, #tpu.memory_space<vmem>>, vector<16xf32>,
    tpu.vector_store %arg13[%swap3A_151, %swap3A_152], %broadcast_in_dim3A_1 {strides = array<i32>} : memref<6x128xf32, #tpu.memory_space<vmem>>, vector<16xf32>,
    %swap3A_154 = arith.constant 3 : i32
    %swap3A_155 = arith.index_cast %swap3A_154 : i32 to index
    %swap3A_156 = arith.constant 112 : index
    %swap3A_157 = tpu.vector_load %arg13[%swap3A_155, %swap3A_156] {strides = array<i32>} : memref<6x128xf32, #tpu.memory_space<vmem>>, vector<16xf32>,
    tpu.vector_store %arg13[%swap3A_155, %swap3A_156], %broadcast_in_dim3A_1 {strides = array<i32>} : memref<6x128xf32, #tpu.memory_space<vmem>>, vector<16xf32>,
    %swap3A_158 = arith.constant 4 : i32
    %swap3A_159 = arith.index_cast %swap3A_158 : i32 to index
    %swap3A_160 = arith.constant 0 : index
    %swap3A_161 = tpu.vector_load %arg13[%swap3A_159, %swap3A_160] {strides = array<i32>} : memref<6x128xf32, #tpu.memory_space<vmem>>, vector<16xf32>,
    tpu.vector_store %arg13[%swap3A_159, %swap3A_160], %broadcast_in_dim3A_1 {strides = array<i32>} : memref<6x128xf32, #tpu.memory_space<vmem>>, vector<16xf32>,
    %swap3A_162 = arith.constant 4 : i32
    %swap3A_163 = arith.index_cast %swap3A_162 : i32 to index
    %swap3A_164 = arith.constant 16 : index
    %swap3A_165 = tpu.vector_load %arg13[%swap3A_163, %swap3A_164] {strides = array<i32>} : memref<6x128xf32, #tpu.memory_space<vmem>>, vector<16xf32>,
    tpu.vector_store %arg13[%swap3A_163, %swap3A_164], %broadcast_in_dim3A_1 {strides = array<i32>} : memref<6x128xf32, #tpu.memory_space<vmem>>, vector<16xf32>,
    %swap3A_166 = arith.constant 4 : i32
    %swap3A_167 = arith.index_cast %swap3A_166 : i32 to index
    %swap3A_168 = arith.constant 32 : index
    %swap3A_169 = tpu.vector_load %arg13[%swap3A_167, %swap3A_168] {strides = array<i32>} : memref<6x128xf32, #tpu.memory_space<vmem>>, vector<16xf32>,
    tpu.vector_store %arg13[%swap3A_167, %swap3A_168], %broadcast_in_dim3A_1 {strides = array<i32>} : memref<6x128xf32, #tpu.memory_space<vmem>>, vector<16xf32>,
    %swap3A_170 = arith.constant 4 : i32
    %swap3A_171 = arith.index_cast %swap3A_170 : i32 to index
    %swap3A_172 = arith.constant 48 : index
    %swap3A_173 = tpu.vector_load %arg13[%swap3A_171, %swap3A_172] {strides = array<i32>} : memref<6x128xf32, #tpu.memory_space<vmem>>, vector<16xf32>,
    tpu.vector_store %arg13[%swap3A_171, %swap3A_172], %broadcast_in_dim3A_1 {strides = array<i32>} : memref<6x128xf32, #tpu.memory_space<vmem>>, vector<16xf32>,
    %swap3A_174 = arith.constant 4 : i32
    %swap3A_175 = arith.index_cast %swap3A_174 : i32 to index
    %swap3A_176 = arith.constant 64 : index
    %swap3A_177 = tpu.vector_load %arg13[%swap3A_175, %swap3A_176] {strides = array<i32>} : memref<6x128xf32, #tpu.memory_space<vmem>>, vector<16xf32>,
    tpu.vector_store %arg13[%swap3A_175, %swap3A_176], %broadcast_in_dim3A_1 {strides = array<i32>} : memref<6x128xf32, #tpu.memory_space<vmem>>, vector<16xf32>,
    %swap3A_178 = arith.constant 4 : i32
    %swap3A_179 = arith.index_cast %swap3A_178 : i32 to index
    %swap3A_180 = arith.constant 80 : index
    %swap3A_181 = tpu.vector_load %arg13[%swap3A_179, %swap3A_180] {strides = array<i32>} : memref<6x128xf32, #tpu.memory_space<vmem>>, vector<16xf32>,
    tpu.vector_store %arg13[%swap3A_179, %swap3A_180], %broadcast_in_dim3A_1 {strides = array<i32>} : memref<6x128xf32, #tpu.memory_space<vmem>>, vector<16xf32>,
    %swap3A_182 = arith.constant 4 : i32
    %swap3A_183 = arith.index_cast %swap3A_182 : i32 to index
    %swap3A_184 = arith.constant 96 : index
    %swap3A_185 = tpu.vector_load %arg13[%swap3A_183, %swap3A_184] {strides = array<i32>} : memref<6x128xf32, #tpu.memory_space<vmem>>, vector<16xf32>,
    tpu.vector_store %arg13[%swap3A_183, %swap3A_184], %broadcast_in_dim3A_1 {strides = array<i32>} : memref<6x128xf32, #tpu.memory_space<vmem>>, vector<16xf32>,
    %swap3A_186 = arith.constant 4 : i32
    %swap3A_187 = arith.index_cast %swap3A_186 : i32 to index
    %swap3A_188 = arith.constant 112 : index
    %swap3A_189 = tpu.vector_load %arg13[%swap3A_187, %swap3A_188] {strides = array<i32>} : memref<6x128xf32, #tpu.memory_space<vmem>>, vector<16xf32>,
    tpu.vector_store %arg13[%swap3A_187, %swap3A_188], %broadcast_in_dim3A_1 {strides = array<i32>} : memref<6x128xf32, #tpu.memory_space<vmem>>, vector<16xf32>,
    %swap3A_190 = arith.constant 5 : i32
    %swap3A_191 = arith.index_cast %swap3A_190 : i32 to index
    %swap3A_192 = arith.constant 0 : index
    %swap3A_193 = tpu.vector_load %arg13[%swap3A_191, %swap3A_192] {strides = array<i32>} : memref<6x128xf32, #tpu.memory_space<vmem>>, vector<16xf32>,
    tpu.vector_store %arg13[%swap3A_191, %swap3A_192], %broadcast_in_dim3A_1 {strides = array<i32>} : memref<6x128xf32, #tpu.memory_space<vmem>>, vector<16xf32>,
    %swap3A_194 = arith.constant 5 : i32
    %swap3A_195 = arith.index_cast %swap3A_194 : i32 to index
    %swap3A_196 = arith.constant 16 : index
    %swap3A_197 = tpu.vector_load %arg13[%swap3A_195, %swap3A_196] {strides = array<i32>} : memref<6x128xf32, #tpu.memory_space<vmem>>, vector<16xf32>,
    tpu.vector_store %arg13[%swap3A_195, %swap3A_196], %broadcast_in_dim3A_1 {strides = array<i32>} : memref<6x128xf32, #tpu.memory_space<vmem>>, vector<16xf32>,
    %swap3A_198 = arith.constant 5 : i32
    %swap3A_199 = arith.index_cast %swap3A_198 : i32 to index
    %swap3A_200 = arith.constant 32 : index
    %swap3A_201 = tpu.vector_load %arg13[%swap3A_199, %swap3A_200] {strides = array<i32>} : memref<6x128xf32, #tpu.memory_space<vmem>>, vector<16xf32>,
    tpu.vector_store %arg13[%swap3A_199, %swap3A_200], %broadcast_in_dim3A_1 {strides = array<i32>} : memref<6x128xf32, #tpu.memory_space<vmem>>, vector<16xf32>,
    %swap3A_202 = arith.constant 5 : i32
    %swap3A_203 = arith.index_cast %swap3A_202 : i32 to index
    %swap3A_204 = arith.constant 48 : index
    %swap3A_205 = tpu.vector_load %arg13[%swap3A_203, %swap3A_204] {strides = array<i32>} : memref<6x128xf32, #tpu.memory_space<vmem>>, vector<16xf32>,
    tpu.vector_store %arg13[%swap3A_203, %swap3A_204], %broadcast_in_dim3A_1 {strides = array<i32>} : memref<6x128xf32, #tpu.memory_space<vmem>>, vector<16xf32>,
    %swap3A_206 = arith.constant 5 : i32
    %swap3A_207 = arith.index_cast %swap3A_206 : i32 to index
    %swap3A_208 = arith.constant 64 : index
    %swap3A_209 = tpu.vector_load %arg13[%swap3A_207, %swap3A_208] {strides = array<i32>} : memref<6x128xf32, #tpu.memory_space<vmem>>, vector<16xf32>,
    tpu.vector_store %arg13[%swap3A_207, %swap3A_208], %broadcast_in_dim3A_1 {strides = array<i32>} : memref<6x128xf32, #tpu.memory_space<vmem>>, vector<16xf32>,
    %swap3A_210 = arith.constant 5 : i32
    %swap3A_211 = arith.index_cast %swap3A_210 : i32 to index
    %swap3A_212 = arith.constant 80 : index
    %swap3A_213 = tpu.vector_load %arg13[%swap3A_211, %swap3A_212] {strides = array<i32>} : memref<6x128xf32, #tpu.memory_space<vmem>>, vector<16xf32>,
    tpu.vector_store %arg13[%swap3A_211, %swap3A_212], %broadcast_in_dim3A_1 {strides = array<i32>} : memref<6x128xf32, #tpu.memory_space<vmem>>, vector<16xf32>,
    %swap3A_214 = arith.constant 5 : i32
    %swap3A_215 = arith.index_cast %swap3A_214 : i32 to index
    %swap3A_216 = arith.constant 96 : index
    %swap3A_217 = tpu.vector_load %arg13[%swap3A_215, %swap3A_216] {strides = array<i32>} : memref<6x128xf32, #tpu.memory_space<vmem>>, vector<16xf32>,
    tpu.vector_store %arg13[%swap3A_215, %swap3A_216], %broadcast_in_dim3A_1 {strides = array<i32>} : memref<6x128xf32, #tpu.memory_space<vmem>>, vector<16xf32>,
    %swap3A_218 = arith.constant 5 : i32
    %swap3A_219 = arith.index_cast %swap3A_218 : i32 to index
    %swap3A_220 = arith.constant 112 : index
    %swap3A_221 = tpu.vector_load %arg13[%swap3A_219, %swap3A_220] {strides = array<i32>} : memref<6x128xf32, #tpu.memory_space<vmem>>, vector<16xf32>,
    tpu.vector_store %arg13[%swap3A_219, %swap3A_220], %broadcast_in_dim3A_1 {strides = array<i32>} : memref<6x128xf32, #tpu.memory_space<vmem>>, vector<16xf32>,
    %mul3A_222 = arith.constant 6 : i32
    %mul3A_223 = arith.muli %arg1, %mul3A_222 : i32
    "tpu.region"() ({
      %run_scoped3A = tpu.sem_alloc : memref<!tpu.dma_semaphore, #tpu.memory_space<semaphore_mem>>
      %dma_start3A = arith.constant 0 : i32
      %dma_start3A_247 = tpu.memref_slice %arg14[%mul3A_223, %dma_start3A] : memref<96x128xf32, #tpu.memory_space<vmem_shared>> -> memref<6x128xf32, #tpu.memory_space<vmem_shared>>
      %dma_start3A_248 = arith.constant 0 : i32
      %dma_start3A_249 = tpu.memref_slice %arg14[%mul3A_223, %dma_start3A_248] : memref<96x128xf32, #tpu.memory_space<vmem_shared>> -> memref<6x128xf32, #tpu.memory_space<vmem_shared>>
      tpu.enqueue_dma source(%arg13 : memref<6x128xf32, #tpu.memory_space<vmem>>) target(%dma_start3A_249 : memref<6x128xf32, #tpu.memory_space<vmem_shared>>) target_semaphore(%run_scoped3A : memref<!tpu.dma_semaphore, #tpu.memory_space<semaphore_mem>>)
      %dma_wait3A = arith.constant 0 : i32
      %dma_wait3A_250 = tpu.memref_slice %arg14[%mul3A_223, %dma_wait3A] : memref<96x128xf32, #tpu.memory_space<vmem_shared>> -> memref<6x128xf32, #tpu.memory_space<vmem_shared>>
      %dma_wait3A_251 = arith.constant 0 : i32
      %dma_wait3A_252 = tpu.memref_slice %arg14[%mul3A_223, %dma_wait3A_251] : memref<96x128xf32, #tpu.memory_space<vmem_shared>> -> memref<6x128xf32, #tpu.memory_space<vmem_shared>>
      tpu.wait_dma2 semaphore(%run_scoped3A : memref<!tpu.dma_semaphore, #tpu.memory_space<semaphore_mem>>) src(%arg13 : memref<6x128xf32, #tpu.memory_space<vmem>>) dst(%dma_wait3A_252 : memref<6x128xf32, #tpu.memory_space<vmem_shared>>)
      tpu.yield
    }) : () -> ()
    %scan3A = arith.constant 0 : i32
    %scan3A_224 = arith.constant 0 : i32
    %scan3A_225 = arith.constant 96 : i32
    %scan3A_226 = arith.addi %scan3A_224, %scan3A_225 : i32
    %scan3A_227 = arith.constant 1 : i32
    %scan3A_228 = scf.for %scan3A_247 = %scan3A_224 to %scan3A_226 step %scan3A_227 iter_args(%scan3A_248 = %scan3A) -> (i32)  : i32 {
      %swap3A_249 = arith.index_cast %scan3A_247 : i32 to index
      %swap3A_250 = arith.constant 0 : index
      %swap3A_251 = tpu.vector_load %arg11[%swap3A_249, %swap3A_250] {strides = array<i32>} : memref<96x128xf32, #tpu.memory_space<vmem>>, vector<16xf32>,
      tpu.vector_store %arg11[%swap3A_249, %swap3A_250], %broadcast_in_dim3A_1 {strides = array<i32>} : memref<96x128xf32, #tpu.memory_space<vmem>>, vector<16xf32>,
      %swap3A_252 = arith.index_cast %scan3A_247 : i32 to index
      %swap3A_253 = arith.constant 16 : index
      %swap3A_254 = tpu.vector_load %arg11[%swap3A_252, %swap3A_253] {strides = array<i32>} : memref<96x128xf32, #tpu.memory_space<vmem>>, vector<16xf32>,
      tpu.vector_store %arg11[%swap3A_252, %swap3A_253], %broadcast_in_dim3A_1 {strides = array<i32>} : memref<96x128xf32, #tpu.memory_space<vmem>>, vector<16xf32>,
      %swap3A_255 = arith.index_cast %scan3A_247 : i32 to index
      %swap3A_256 = arith.constant 32 : index
      %swap3A_257 = tpu.vector_load %arg11[%swap3A_255, %swap3A_256] {strides = array<i32>} : memref<96x128xf32, #tpu.memory_space<vmem>>, vector<16xf32>,
      tpu.vector_store %arg11[%swap3A_255, %swap3A_256], %broadcast_in_dim3A_1 {strides = array<i32>} : memref<96x128xf32, #tpu.memory_space<vmem>>, vector<16xf32>,
      %swap3A_258 = arith.index_cast %scan3A_247 : i32 to index
      %swap3A_259 = arith.constant 48 : index
      %swap3A_260 = tpu.vector_load %arg11[%swap3A_258, %swap3A_259] {strides = array<i32>} : memref<96x128xf32, #tpu.memory_space<vmem>>, vector<16xf32>,
      tpu.vector_store %arg11[%swap3A_258, %swap3A_259], %broadcast_in_dim3A_1 {strides = array<i32>} : memref<96x128xf32, #tpu.memory_space<vmem>>, vector<16xf32>,
      %swap3A_261 = arith.index_cast %scan3A_247 : i32 to index
      %swap3A_262 = arith.constant 64 : index
      %swap3A_263 = tpu.vector_load %arg11[%swap3A_261, %swap3A_262] {strides = array<i32>} : memref<96x128xf32, #tpu.memory_space<vmem>>, vector<16xf32>,
      tpu.vector_store %arg11[%swap3A_261, %swap3A_262], %broadcast_in_dim3A_1 {strides = array<i32>} : memref<96x128xf32, #tpu.memory_space<vmem>>, vector<16xf32>,
      %swap3A_264 = arith.index_cast %scan3A_247 : i32 to index
      %swap3A_265 = arith.constant 80 : index
      %swap3A_266 = tpu.vector_load %arg11[%swap3A_264, %swap3A_265] {strides = array<i32>} : memref<96x128xf32, #tpu.memory_space<vmem>>, vector<16xf32>,
      tpu.vector_store %arg11[%swap3A_264, %swap3A_265], %broadcast_in_dim3A_1 {strides = array<i32>} : memref<96x128xf32, #tpu.memory_space<vmem>>, vector<16xf32>,
      %swap3A_267 = arith.index_cast %scan3A_247 : i32 to index
      %swap3A_268 = arith.constant 96 : index
      %swap3A_269 = tpu.vector_load %arg11[%swap3A_267, %swap3A_268] {strides = array<i32>} : memref<96x128xf32, #tpu.memory_space<vmem>>, vector<16xf32>,
      tpu.vector_store %arg11[%swap3A_267, %swap3A_268], %broadcast_in_dim3A_1 {strides = array<i32>} : memref<96x128xf32, #tpu.memory_space<vmem>>, vector<16xf32>,
      %swap3A_270 = arith.index_cast %scan3A_247 : i32 to index
      %swap3A_271 = arith.constant 112 : index
      %swap3A_272 = tpu.vector_load %arg11[%swap3A_270, %swap3A_271] {strides = array<i32>} : memref<96x128xf32, #tpu.memory_space<vmem>>, vector<16xf32>,
      tpu.vector_store %arg11[%swap3A_270, %swap3A_271], %broadcast_in_dim3A_1 {strides = array<i32>} : memref<96x128xf32, #tpu.memory_space<vmem>>, vector<16xf32>,
      %scan3A_273 = arith.constant 0 : i32
      scf.yield %scan3A_273 : i32
    }
    %scan3A_229 = arith.constant 96 : i32
    %scan3A_230 = arith.constant 0 : i32
    %scan3A_231 = arith.constant 0 : i32
    %scan3A_232 = arith.constant 320 : i32
    %scan3A_233 = arith.addi %scan3A_231, %scan3A_232 : i32
    %scan3A_234 = arith.constant 1 : i32
    %scan3A_235 = scf.for %scan3A_247 = %scan3A_231 to %scan3A_233 step %scan3A_234 iter_args(%scan3A_248 = %scan3A_230) -> (i32)  : i32 {
      %mul3A_249 = arith.constant 16 : i32
      %mul3A_250 = arith.muli %scan3A_247, %mul3A_249 : i32
      %get3A = arith.index_cast %mul3A_250 : i32 to index
      %get3A_251 = tpu.vector_load %arg7[%get3A] {strides = array<i32>} : memref<5120xi32, #tpu.memory_space<vmem>>, vector<16xi32>,
      %get3A_252 = arith.index_cast %mul3A_250 : i32 to index
      %get3A_253 = tpu.vector_load %arg8[%get3A_252] {strides = array<i32>} : memref<5120xi32, #tpu.memory_space<vmem>>, vector<16xi32>,
      %and3A = arith.constant 65535 : i32
      %and3A_254 = vector.broadcast %and3A : i32 to vector<16xi32>
      %and3A_255 = arith.andi %get3A_251, %and3A_254 : vector<16xi32>
      %and3A_256 = arith.constant 65535 : i32
      %and3A_257 = vector.broadcast %and3A_256 : i32 to vector<16xi32>
      %and3A_258 = arith.andi %get3A_253, %and3A_257 : vector<16xi32>
      %gather3A = tpu.vector_load_idx %arg6[%and3A_255] : memref<10240xf32, #tpu.memory_space<vmem>>[vector<16xi32>], vector<16xf32>,
      %exp3A = math.exp %gather3A : vector<16xf32>
      %mul3A_259 = arith.constant 32 : i32
      %mul3A_260 = arith.muli %scan3A_247, %mul3A_259 : i32
      %add3A_261 = arith.constant 0 : i32
      %add3A_262 = arith.addi %mul3A_260, %add3A_261 : i32
      %swap3A_263 = arith.index_cast %add3A_262 : i32 to index
      %swap3A_264 = tpu.vector_load %arg9[%swap3A_263] {strides = array<i32>} : memref<10240xf32, #tpu.memory_space<vmem>>, vector<16xf32>,
      tpu.vector_store %arg9[%swap3A_263], %exp3A {strides = array<i32>} : memref<10240xf32, #tpu.memory_space<vmem>>, vector<16xf32>,
      %swap3A_265 = arith.index_cast %add3A_262 : i32 to index
      %swap3A_266 = tpu.vector_load %arg10[%swap3A_265] {strides = array<i32>} : memref<10240xi32, #tpu.memory_space<vmem>>, vector<16xi32>,
      tpu.vector_store %arg10[%swap3A_265], %and3A_258 {strides = array<i32>} : memref<10240xi32, #tpu.memory_space<vmem>>, vector<16xi32>,
      %shift_right_logical3A = arith.constant 7 : i32
      %shift_right_logical3A_267 = vector.broadcast %shift_right_logical3A : i32 to vector<16xi32>
      %shift_right_logical3A_268 = arith.shrui %and3A_258, %shift_right_logical3A_267 : vector<16xi32>
      %and3A_269 = arith.constant 127 : i32
      %and3A_270 = vector.broadcast %and3A_269 : i32 to vector<16xi32>
      %and3A_271 = arith.andi %and3A_258, %and3A_270 : vector<16xi32>
      tpu.vector_store_idx %arg11[%shift_right_logical3A_268, %and3A_271], %exp3A {add = true} : memref<96x128xf32, #tpu.memory_space<vmem>>[vector<16xi32>, vector<16xi32>], vector<16xf32>,
      %shift_right_logical3A_272 = arith.constant 16 : i32
      %shift_right_logical3A_273 = vector.broadcast %shift_right_logical3A_272 : i32 to vector<16xi32>
      %shift_right_logical3A_274 = arith.shrui %get3A_251, %shift_right_logical3A_273 : vector<16xi32>
      %shift_right_logical3A_275 = arith.constant 16 : i32
      %shift_right_logical3A_276 = vector.broadcast %shift_right_logical3A_275 : i32 to vector<16xi32>
      %shift_right_logical3A_277 = arith.shrui %get3A_253, %shift_right_logical3A_276 : vector<16xi32>
      %gather3A_278 = tpu.vector_load_idx %arg6[%shift_right_logical3A_274] : memref<10240xf32, #tpu.memory_space<vmem>>[vector<16xi32>], vector<16xf32>,
      %exp3A_279 = math.exp %gather3A_278 : vector<16xf32>
      %mul3A_280 = arith.constant 32 : i32
      %mul3A_281 = arith.muli %scan3A_247, %mul3A_280 : i32
      %add3A_282 = arith.constant 16 : i32
      %add3A_283 = arith.addi %mul3A_281, %add3A_282 : i32
      %swap3A_284 = arith.index_cast %add3A_283 : i32 to index
      %swap3A_285 = tpu.vector_load %arg9[%swap3A_284] {strides = array<i32>} : memref<10240xf32, #tpu.memory_space<vmem>>, vector<16xf32>,
      tpu.vector_store %arg9[%swap3A_284], %exp3A_279 {strides = array<i32>} : memref<10240xf32, #tpu.memory_space<vmem>>, vector<16xf32>,
      %swap3A_286 = arith.index_cast %add3A_283 : i32 to index
      %swap3A_287 = tpu.vector_load %arg10[%swap3A_286] {strides = array<i32>} : memref<10240xi32, #tpu.memory_space<vmem>>, vector<16xi32>,
      tpu.vector_store %arg10[%swap3A_286], %shift_right_logical3A_277 {strides = array<i32>} : memref<10240xi32, #tpu.memory_space<vmem>>, vector<16xi32>,
      %shift_right_logical3A_288 = arith.constant 7 : i32
      %shift_right_logical3A_289 = vector.broadcast %shift_right_logical3A_288 : i32 to vector<16xi32>
      %shift_right_logical3A_290 = arith.shrui %shift_right_logical3A_277, %shift_right_logical3A_289 : vector<16xi32>
      %and3A_291 = arith.constant 127 : i32
      %and3A_292 = vector.broadcast %and3A_291 : i32 to vector<16xi32>
      %and3A_293 = arith.andi %shift_right_logical3A_277, %and3A_292 : vector<16xi32>
      tpu.vector_store_idx %arg11[%shift_right_logical3A_290, %and3A_293], %exp3A_279 {add = true} : memref<96x128xf32, #tpu.memory_space<vmem>>[vector<16xi32>, vector<16xi32>], vector<16xf32>,
      %scan3A_294 = arith.constant 0 : i32
      scf.yield %scan3A_294 : i32
    }
    %scan3A_236 = arith.constant 320 : i32
    %barrier3A = arith.constant 0 : index
    tpu.barrier barrier_id(%barrier3A)
    "tpu.region"() ({
      %run_scoped3A = tpu.sem_alloc : memref<!tpu.dma_semaphore, #tpu.memory_space<semaphore_mem>>
      %dma_start3A = arith.constant 0 : i32
      %dma_start3A_247 = arith.constant 0 : i32
      %dma_start3A_248 = tpu.memref_slice %arg14[%dma_start3A, %dma_start3A_247] : memref<96x128xf32, #tpu.memory_space<vmem_shared>> -> memref<96x128xf32, #tpu.memory_space<vmem_shared>>
      tpu.enqueue_indirect_dma source(%arg11 : memref<96x128xf32, #tpu.memory_space<vmem>>) target(%dma_start3A_248 : memref<96x128xf32, #tpu.memory_space<vmem_shared>>) offsets(%arg12 : memref<96xi32, #tpu.memory_space<vmem>>) semaphore(%run_scoped3A : memref<!tpu.dma_semaphore, #tpu.memory_space<semaphore_mem>>) {add = true}
      %dma_wait3A = arith.constant 0 : i32
      %dma_wait3A_249 = arith.constant 0 : i32
      %dma_wait3A_250 = tpu.memref_slice %arg14[%dma_wait3A, %dma_wait3A_249] : memref<96x128xf32, #tpu.memory_space<vmem_shared>> -> memref<96x128xf32, #tpu.memory_space<vmem_shared>>
      tpu.wait_indirect_dma semaphore(%run_scoped3A : memref<!tpu.dma_semaphore, #tpu.memory_space<semaphore_mem>>) src(%arg11 : memref<96x128xf32, #tpu.memory_space<vmem>>) dst(%dma_wait3A_250 : memref<96x128xf32, #tpu.memory_space<vmem_shared>>)
      tpu.yield
    }) : () -> ()
    %barrier3A_237 = arith.constant 0 : index
    tpu.barrier barrier_id(%barrier3A_237)
    "tpu.region"() ({
      %run_scoped3A = tpu.sem_alloc : memref<!tpu.dma_semaphore, #tpu.memory_space<semaphore_mem>>
      tpu.enqueue_dma source(%arg14 : memref<96x128xf32, #tpu.memory_space<vmem_shared>>) target(%arg11 : memref<96x128xf32, #tpu.memory_space<vmem>>) target_semaphore(%run_scoped3A : memref<!tpu.dma_semaphore, #tpu.memory_space<semaphore_mem>>)
      tpu.wait_dma2 semaphore(%run_scoped3A : memref<!tpu.dma_semaphore, #tpu.memory_space<semaphore_mem>>) src(%arg14 : memref<96x128xf32, #tpu.memory_space<vmem_shared>>) dst(%arg11 : memref<96x128xf32, #tpu.memory_space<vmem>>)
      tpu.yield
    }) : () -> ()
    %scan3A_238 = arith.constant 0 : i32
    %scan3A_239 = arith.constant 0 : i32
    %scan3A_240 = arith.constant 640 : i32
    %scan3A_241 = arith.addi %scan3A_239, %scan3A_240 : i32
    %scan3A_242 = arith.constant 1 : i32
    %scan3A_243 = scf.for %scan3A_247 = %scan3A_239 to %scan3A_241 step %scan3A_242 iter_args(%scan3A_248 = %scan3A_238) -> (i32)  : i32 {
      %mul3A_249 = arith.constant 16 : i32
      %mul3A_250 = arith.muli %scan3A_247, %mul3A_249 : i32
      %get3A = arith.index_cast %mul3A_250 : i32 to index
      %get3A_251 = tpu.vector_load %arg10[%get3A] {strides = array<i32>} : memref<10240xi32, #tpu.memory_space<vmem>>, vector<16xi32>,
      %shift_right_logical3A = arith.constant 7 : i32
      %shift_right_logical3A_252 = vector.broadcast %shift_right_logical3A : i32 to vector<16xi32>
      %shift_right_logical3A_253 = arith.shrui %get3A_251, %shift_right_logical3A_252 : vector<16xi32>
      %and3A = arith.constant 127 : i32
      %and3A_254 = vector.broadcast %and3A : i32 to vector<16xi32>
      %and3A_255 = arith.andi %get3A_251, %and3A_254 : vector<16xi32>
      %gather3A = tpu.vector_load_idx %arg11[%shift_right_logical3A_253, %and3A_255] : memref<96x128xf32, #tpu.memory_space<vmem>>[vector<16xi32>, vector<16xi32>], vector<16xf32>,
      %get3A_256 = arith.index_cast %mul3A_250 : i32 to index
      %get3A_257 = tpu.vector_load %arg9[%get3A_256] {strides = array<i32>} : memref<10240xf32, #tpu.memory_space<vmem>>, vector<16xf32>,
      %div3A = arith.divf %get3A_257, %gather3A : vector<16xf32>
      %swap3A_258 = arith.index_cast %mul3A_250 : i32 to index
      %swap3A_259 = tpu.vector_load %arg9[%swap3A_258] {strides = array<i32>} : memref<10240xf32, #tpu.memory_space<vmem>>, vector<16xf32>,
      tpu.vector_store %arg9[%swap3A_258], %div3A {strides = array<i32>} : memref<10240xf32, #tpu.memory_space<vmem>>, vector<16xf32>,
      %scan3A_260 = arith.constant 0 : i32
      scf.yield %scan3A_260 : i32
    }
    %scan3A_244 = arith.constant 640 : i32
    %eq3A = arith.constant 0 : i32
    %eq3A_245 = arith.cmpi eq, %arg0, %eq3A : i32
    %convert_element_type3A = arith.extui %eq3A_245 : i1 to i32
    %cond3A = arith.constant 0 : i32
    %cond3A_246 = arith.cmpi ne, %convert_element_type3A, %cond3A : i32
    scf.if %cond3A_246 {
      "tpu.region"() ({
        %run_scoped3A = tpu.sem_alloc : memref<!tpu.dma_semaphore, #tpu.memory_space<semaphore_mem>>
        %dma_start3A = tpu.memref_slice %arg5[%mul3A_0] : memref<163840xf32, #tpu.memory_space<hbm>> -> memref<10240xf32, #tpu.memory_space<hbm>>
        %dma_start3A_247 = tpu.memref_slice %arg5[%mul3A_0] : memref<163840xf32, #tpu.memory_space<hbm>> -> memref<10240xf32, #tpu.memory_space<hbm>>
        tpu.enqueue_dma source(%arg9 : memref<10240xf32, #tpu.memory_space<vmem>>) target(%dma_start3A_247 : memref<10240xf32, #tpu.memory_space<hbm>>) target_semaphore(%run_scoped3A : memref<!tpu.dma_semaphore, #tpu.memory_space<semaphore_mem>>)
        %dma_wait3A = tpu.memref_slice %arg5[%mul3A_0] : memref<163840xf32, #tpu.memory_space<hbm>> -> memref<10240xf32, #tpu.memory_space<hbm>>
        %dma_wait3A_248 = tpu.memref_slice %arg5[%mul3A_0] : memref<163840xf32, #tpu.memory_space<hbm>> -> memref<10240xf32, #tpu.memory_space<hbm>>
        tpu.wait_dma2 semaphore(%run_scoped3A : memref<!tpu.dma_semaphore, #tpu.memory_space<semaphore_mem>>) src(%arg9 : memref<10240xf32, #tpu.memory_space<vmem>>) dst(%dma_wait3A_248 : memref<10240xf32, #tpu.memory_space<hbm>>)
        tpu.yield
      }) : () -> ()
    } else {
    }
    return
  }
}

#map = affine_map<(d0, d1) -> (0, 0)>
#map1 = affine_map<(d0, d1) -> (0)>
#map2 = affine_map<(d0, d1) -> (0, 0, 0)>
module attributes {stable_mosaic.version = 14 : i64} {
  func.func @_k3(%arg0: i32, %arg1: i32, %arg2: memref<20000x128xf32, #tpu.memory_space<hbm>>, %arg3: memref<16x5120xi32, #tpu.memory_space<hbm>>, %arg4: memref<16x5120xi32, #tpu.memory_space<hbm>>, %arg5: memref<163840xf32, #tpu.memory_space<hbm>>, %arg6: memref<632x128xf32, #tpu.memory_space<hbm>>, %arg7: memref<2x10112x128xf32, #tpu.memory_space<hbm>>, %arg8: memref<5120xi32, #tpu.memory_space<vmem>>, %arg9: memref<5120xi32, #tpu.memory_space<vmem>>, %arg10: memref<10240xf32, #tpu.memory_space<vmem>>, %arg11: memref<64xi32, #tpu.memory_space<vmem>>, %arg12: memref<64xi32, #tpu.memory_space<vmem>>, %arg13: memref<64xi32, #tpu.memory_space<vmem>>, %arg14: memref<64xi32, #tpu.memory_space<vmem>>, %arg15: memref<64x128xf32, #tpu.memory_space<vmem>>, %arg16: memref<64x128xf32, #tpu.memory_space<vmem>>, %arg17: memref<10112x128xf32, #tpu.memory_space<vmem_shared>>, %arg18: memref<!tpu.dma_semaphore, #tpu.memory_space<semaphore_mem>>, %arg19: memref<!tpu.dma_semaphore, #tpu.memory_space<semaphore_mem>>, %arg20: memref<!tpu.dma_semaphore, #tpu.memory_space<semaphore_mem>>, %arg21: memref<!tpu.dma_semaphore, #tpu.memory_space<semaphore_mem>>) attributes {dimension_semantics = [#tpu.dimension_semantics<core_parallel>, #tpu.dimension_semantics<subcore_parallel>], iteration_bounds = array<i64: 2, 16>, scalar_prefetch = 0 : i64, scratch_operands = 14 : i64, tpu.core_type = #tpu.core_type<sc_vector_subcore>, window_params = [{transform_indices = #map}, {transform_indices = #map}, {transform_indices = #map}, {transform_indices = #map1}, {transform_indices = #map}, {transform_indices = #map2}]} {
    %mul3A = arith.constant 10240 : i32
    %mul3A_0 = arith.muli %arg1, %mul3A : i32
    "tpu.region"() ({
      %run_scoped3A = tpu.sem_alloc : memref<!tpu.dma_semaphore, #tpu.memory_space<semaphore_mem>>
      %dma_start3A_81 = arith.constant 0 : i32
      %dma_start3A_82 = tpu.memref_slice %arg3[%arg1, %dma_start3A_81] : memref<16x5120xi32, #tpu.memory_space<hbm>> -> memref<1x5120xi32, #tpu.memory_space<hbm>>
      %dma_start3A_83 = tpu.memref_squeeze %dma_start3A_82 : memref<1x5120xi32, #tpu.memory_space<hbm>> -> memref<5120xi32, #tpu.memory_space<hbm>>
      %dma_start3A_84 = arith.constant 0 : i32
      %dma_start3A_85 = tpu.memref_slice %arg3[%arg1, %dma_start3A_84] : memref<16x5120xi32, #tpu.memory_space<hbm>> -> memref<1x5120xi32, #tpu.memory_space<hbm>>
      %dma_start3A_86 = tpu.memref_squeeze %dma_start3A_85 : memref<1x5120xi32, #tpu.memory_space<hbm>> -> memref<5120xi32, #tpu.memory_space<hbm>>
      tpu.enqueue_dma source(%dma_start3A_86 : memref<5120xi32, #tpu.memory_space<hbm>>) target(%arg8 : memref<5120xi32, #tpu.memory_space<vmem>>) target_semaphore(%run_scoped3A : memref<!tpu.dma_semaphore, #tpu.memory_space<semaphore_mem>>)
      %dma_wait3A = arith.constant 0 : i32
      %dma_wait3A_87 = tpu.memref_slice %arg3[%arg1, %dma_wait3A] : memref<16x5120xi32, #tpu.memory_space<hbm>> -> memref<1x5120xi32, #tpu.memory_space<hbm>>
      %dma_wait3A_88 = tpu.memref_squeeze %dma_wait3A_87 : memref<1x5120xi32, #tpu.memory_space<hbm>> -> memref<5120xi32, #tpu.memory_space<hbm>>
      %dma_wait3A_89 = arith.constant 0 : i32
      %dma_wait3A_90 = tpu.memref_slice %arg3[%arg1, %dma_wait3A_89] : memref<16x5120xi32, #tpu.memory_space<hbm>> -> memref<1x5120xi32, #tpu.memory_space<hbm>>
      %dma_wait3A_91 = tpu.memref_squeeze %dma_wait3A_90 : memref<1x5120xi32, #tpu.memory_space<hbm>> -> memref<5120xi32, #tpu.memory_space<hbm>>
      tpu.wait_dma2 semaphore(%run_scoped3A : memref<!tpu.dma_semaphore, #tpu.memory_space<semaphore_mem>>) src(%dma_wait3A_91 : memref<5120xi32, #tpu.memory_space<hbm>>) dst(%arg8 : memref<5120xi32, #tpu.memory_space<vmem>>)
      tpu.yield
    }) : () -> ()
    "tpu.region"() ({
      %run_scoped3A = tpu.sem_alloc : memref<!tpu.dma_semaphore, #tpu.memory_space<semaphore_mem>>
      %dma_start3A_81 = arith.constant 0 : i32
      %dma_start3A_82 = tpu.memref_slice %arg4[%arg1, %dma_start3A_81] : memref<16x5120xi32, #tpu.memory_space<hbm>> -> memref<1x5120xi32, #tpu.memory_space<hbm>>
      %dma_start3A_83 = tpu.memref_squeeze %dma_start3A_82 : memref<1x5120xi32, #tpu.memory_space<hbm>> -> memref<5120xi32, #tpu.memory_space<hbm>>
      %dma_start3A_84 = arith.constant 0 : i32
      %dma_start3A_85 = tpu.memref_slice %arg4[%arg1, %dma_start3A_84] : memref<16x5120xi32, #tpu.memory_space<hbm>> -> memref<1x5120xi32, #tpu.memory_space<hbm>>
      %dma_start3A_86 = tpu.memref_squeeze %dma_start3A_85 : memref<1x5120xi32, #tpu.memory_space<hbm>> -> memref<5120xi32, #tpu.memory_space<hbm>>
      tpu.enqueue_dma source(%dma_start3A_86 : memref<5120xi32, #tpu.memory_space<hbm>>) target(%arg9 : memref<5120xi32, #tpu.memory_space<vmem>>) target_semaphore(%run_scoped3A : memref<!tpu.dma_semaphore, #tpu.memory_space<semaphore_mem>>)
      %dma_wait3A = arith.constant 0 : i32
      %dma_wait3A_87 = tpu.memref_slice %arg4[%arg1, %dma_wait3A] : memref<16x5120xi32, #tpu.memory_space<hbm>> -> memref<1x5120xi32, #tpu.memory_space<hbm>>
      %dma_wait3A_88 = tpu.memref_squeeze %dma_wait3A_87 : memref<1x5120xi32, #tpu.memory_space<hbm>> -> memref<5120xi32, #tpu.memory_space<hbm>>
      %dma_wait3A_89 = arith.constant 0 : i32
      %dma_wait3A_90 = tpu.memref_slice %arg4[%arg1, %dma_wait3A_89] : memref<16x5120xi32, #tpu.memory_space<hbm>> -> memref<1x5120xi32, #tpu.memory_space<hbm>>
      %dma_wait3A_91 = tpu.memref_squeeze %dma_wait3A_90 : memref<1x5120xi32, #tpu.memory_space<hbm>> -> memref<5120xi32, #tpu.memory_space<hbm>>
      tpu.wait_dma2 semaphore(%run_scoped3A : memref<!tpu.dma_semaphore, #tpu.memory_space<semaphore_mem>>) src(%dma_wait3A_91 : memref<5120xi32, #tpu.memory_space<hbm>>) dst(%arg9 : memref<5120xi32, #tpu.memory_space<vmem>>)
      tpu.yield
    }) : () -> ()
    "tpu.region"() ({
      %run_scoped3A = tpu.sem_alloc : memref<!tpu.dma_semaphore, #tpu.memory_space<semaphore_mem>>
      %dma_start3A_81 = tpu.memref_slice %arg5[%mul3A_0] : memref<163840xf32, #tpu.memory_space<hbm>> -> memref<10240xf32, #tpu.memory_space<hbm>>
      %dma_start3A_82 = tpu.memref_slice %arg5[%mul3A_0] : memref<163840xf32, #tpu.memory_space<hbm>> -> memref<10240xf32, #tpu.memory_space<hbm>>
      tpu.enqueue_dma source(%dma_start3A_82 : memref<10240xf32, #tpu.memory_space<hbm>>) target(%arg10 : memref<10240xf32, #tpu.memory_space<vmem>>) target_semaphore(%run_scoped3A : memref<!tpu.dma_semaphore, #tpu.memory_space<semaphore_mem>>)
      %dma_wait3A = tpu.memref_slice %arg5[%mul3A_0] : memref<163840xf32, #tpu.memory_space<hbm>> -> memref<10240xf32, #tpu.memory_space<hbm>>
      %dma_wait3A_83 = tpu.memref_slice %arg5[%mul3A_0] : memref<163840xf32, #tpu.memory_space<hbm>> -> memref<10240xf32, #tpu.memory_space<hbm>>
      tpu.wait_dma2 semaphore(%run_scoped3A : memref<!tpu.dma_semaphore, #tpu.memory_space<semaphore_mem>>) src(%dma_wait3A_83 : memref<10240xf32, #tpu.memory_space<hbm>>) dst(%arg10 : memref<10240xf32, #tpu.memory_space<vmem>>)
      tpu.yield
    }) : () -> ()
    %mul3A_1 = arith.constant 632 : i32
    %mul3A_2 = arith.muli %arg1, %mul3A_1 : i32
    "tpu.region"() ({
      %run_scoped3A = tpu.sem_alloc : memref<!tpu.dma_semaphore, #tpu.memory_space<semaphore_mem>>
      %dma_start3A_81 = arith.constant 0 : i32
      %dma_start3A_82 = tpu.memref_slice %arg17[%mul3A_2, %dma_start3A_81] : memref<10112x128xf32, #tpu.memory_space<vmem_shared>> -> memref<632x128xf32, #tpu.memory_space<vmem_shared>>
      tpu.enqueue_dma source(%arg6 : memref<632x128xf32, #tpu.memory_space<hbm>>) target(%dma_start3A_82 : memref<632x128xf32, #tpu.memory_space<vmem_shared>>) target_semaphore(%run_scoped3A : memref<!tpu.dma_semaphore, #tpu.memory_space<semaphore_mem>>)
      %dma_wait3A = arith.constant 0 : i32
      %dma_wait3A_83 = tpu.memref_slice %arg17[%mul3A_2, %dma_wait3A] : memref<10112x128xf32, #tpu.memory_space<vmem_shared>> -> memref<632x128xf32, #tpu.memory_space<vmem_shared>>
      tpu.wait_dma2 semaphore(%run_scoped3A : memref<!tpu.dma_semaphore, #tpu.memory_space<semaphore_mem>>) src(%arg6 : memref<632x128xf32, #tpu.memory_space<hbm>>) dst(%dma_wait3A_83 : memref<632x128xf32, #tpu.memory_space<vmem_shared>>)
      tpu.yield
    }) : () -> ()
    %mul3A_3 = arith.constant 10000 : i32
    %mul3A_4 = arith.muli %arg0, %mul3A_3 : i32
    %barrier3A = arith.constant 0 : index
    tpu.barrier barrier_id(%barrier3A)
    %get3A = arith.constant 0 : index
    %get3A_5 = tpu.vector_load %arg8[%get3A] {strides = array<i32>} : memref<5120xi32, #tpu.memory_space<vmem>>, vector<16xi32>,
    %and3A = arith.constant 65535 : i32
    %and3A_6 = vector.broadcast %and3A : i32 to vector<16xi32>
    %and3A_7 = arith.andi %get3A_5, %and3A_6 : vector<16xi32>
    %add3A = vector.broadcast %mul3A_4 : i32 to vector<16xi32>
    %add3A_8 = arith.addi %and3A_7, %add3A : vector<16xi32>
    %shift_right_logical3A = arith.constant 16 : i32
    %shift_right_logical3A_9 = vector.broadcast %shift_right_logical3A : i32 to vector<16xi32>
    %shift_right_logical3A_10 = arith.shrui %get3A_5, %shift_right_logical3A_9 : vector<16xi32>
    %add3A_11 = vector.broadcast %mul3A_4 : i32 to vector<16xi32>
    %add3A_12 = arith.addi %shift_right_logical3A_10, %add3A_11 : vector<16xi32>
    %swap3A = arith.constant 0 : index
    %swap3A_13 = tpu.vector_load %arg11[%swap3A] {strides = array<i32>} : memref<64xi32, #tpu.memory_space<vmem>>, vector<16xi32>,
    tpu.vector_store %arg11[%swap3A], %add3A_8 {strides = array<i32>} : memref<64xi32, #tpu.memory_space<vmem>>, vector<16xi32>,
    %swap3A_14 = arith.constant 16 : index
    %swap3A_15 = tpu.vector_load %arg11[%swap3A_14] {strides = array<i32>} : memref<64xi32, #tpu.memory_space<vmem>>, vector<16xi32>,
    tpu.vector_store %arg11[%swap3A_14], %add3A_12 {strides = array<i32>} : memref<64xi32, #tpu.memory_space<vmem>>, vector<16xi32>,
    %get3A_16 = arith.constant 16 : index
    %get3A_17 = tpu.vector_load %arg8[%get3A_16] {strides = array<i32>} : memref<5120xi32, #tpu.memory_space<vmem>>, vector<16xi32>,
    %and3A_18 = arith.constant 65535 : i32
    %and3A_19 = vector.broadcast %and3A_18 : i32 to vector<16xi32>
    %and3A_20 = arith.andi %get3A_17, %and3A_19 : vector<16xi32>
    %add3A_21 = vector.broadcast %mul3A_4 : i32 to vector<16xi32>
    %add3A_22 = arith.addi %and3A_20, %add3A_21 : vector<16xi32>
    %shift_right_logical3A_23 = arith.constant 16 : i32
    %shift_right_logical3A_24 = vector.broadcast %shift_right_logical3A_23 : i32 to vector<16xi32>
    %shift_right_logical3A_25 = arith.shrui %get3A_17, %shift_right_logical3A_24 : vector<16xi32>
    %add3A_26 = vector.broadcast %mul3A_4 : i32 to vector<16xi32>
    %add3A_27 = arith.addi %shift_right_logical3A_25, %add3A_26 : vector<16xi32>
    %swap3A_28 = arith.constant 32 : index
    %swap3A_29 = tpu.vector_load %arg11[%swap3A_28] {strides = array<i32>} : memref<64xi32, #tpu.memory_space<vmem>>, vector<16xi32>,
    tpu.vector_store %arg11[%swap3A_28], %add3A_22 {strides = array<i32>} : memref<64xi32, #tpu.memory_space<vmem>>, vector<16xi32>,
    %swap3A_30 = arith.constant 48 : index
    %swap3A_31 = tpu.vector_load %arg11[%swap3A_30] {strides = array<i32>} : memref<64xi32, #tpu.memory_space<vmem>>, vector<16xi32>,
    tpu.vector_store %arg11[%swap3A_30], %add3A_27 {strides = array<i32>} : memref<64xi32, #tpu.memory_space<vmem>>, vector<16xi32>,
    %dma_start3A = arith.constant 0 : i32
    %dma_start3A_32 = arith.constant 0 : i32
    %dma_start3A_33 = tpu.memref_slice %arg2[%dma_start3A, %dma_start3A_32] : memref<20000x128xf32, #tpu.memory_space<hbm>> -> memref<20000x128xf32, #tpu.memory_space<hbm>>
    tpu.enqueue_indirect_dma source(%dma_start3A_33 : memref<20000x128xf32, #tpu.memory_space<hbm>>) target(%arg15 : memref<64x128xf32, #tpu.memory_space<vmem>>) offsets(%arg11 : memref<64xi32, #tpu.memory_space<vmem>>) semaphore(%arg18 : memref<!tpu.dma_semaphore, #tpu.memory_space<semaphore_mem>>)
    %get3A_34 = arith.constant 32 : index
    %get3A_35 = tpu.vector_load %arg8[%get3A_34] {strides = array<i32>} : memref<5120xi32, #tpu.memory_space<vmem>>, vector<16xi32>,
    %and3A_36 = arith.constant 65535 : i32
    %and3A_37 = vector.broadcast %and3A_36 : i32 to vector<16xi32>
    %and3A_38 = arith.andi %get3A_35, %and3A_37 : vector<16xi32>
    %add3A_39 = vector.broadcast %mul3A_4 : i32 to vector<16xi32>
    %add3A_40 = arith.addi %and3A_38, %add3A_39 : vector<16xi32>
    %shift_right_logical3A_41 = arith.constant 16 : i32
    %shift_right_logical3A_42 = vector.broadcast %shift_right_logical3A_41 : i32 to vector<16xi32>
    %shift_right_logical3A_43 = arith.shrui %get3A_35, %shift_right_logical3A_42 : vector<16xi32>
    %add3A_44 = vector.broadcast %mul3A_4 : i32 to vector<16xi32>
    %add3A_45 = arith.addi %shift_right_logical3A_43, %add3A_44 : vector<16xi32>
    %swap3A_46 = arith.constant 0 : index
    %swap3A_47 = tpu.vector_load %arg12[%swap3A_46] {strides = array<i32>} : memref<64xi32, #tpu.memory_space<vmem>>, vector<16xi32>,
    tpu.vector_store %arg12[%swap3A_46], %add3A_40 {strides = array<i32>} : memref<64xi32, #tpu.memory_space<vmem>>, vector<16xi32>,
    %swap3A_48 = arith.constant 16 : index
    %swap3A_49 = tpu.vector_load %arg12[%swap3A_48] {strides = array<i32>} : memref<64xi32, #tpu.memory_space<vmem>>, vector<16xi32>,
    tpu.vector_store %arg12[%swap3A_48], %add3A_45 {strides = array<i32>} : memref<64xi32, #tpu.memory_space<vmem>>, vector<16xi32>,
    %get3A_50 = arith.constant 48 : index
    %get3A_51 = tpu.vector_load %arg8[%get3A_50] {strides = array<i32>} : memref<5120xi32, #tpu.memory_space<vmem>>, vector<16xi32>,
    %and3A_52 = arith.constant 65535 : i32
    %and3A_53 = vector.broadcast %and3A_52 : i32 to vector<16xi32>
    %and3A_54 = arith.andi %get3A_51, %and3A_53 : vector<16xi32>
    %add3A_55 = vector.broadcast %mul3A_4 : i32 to vector<16xi32>
    %add3A_56 = arith.addi %and3A_54, %add3A_55 : vector<16xi32>
    %shift_right_logical3A_57 = arith.constant 16 : i32
    %shift_right_logical3A_58 = vector.broadcast %shift_right_logical3A_57 : i32 to vector<16xi32>
    %shift_right_logical3A_59 = arith.shrui %get3A_51, %shift_right_logical3A_58 : vector<16xi32>
    %add3A_60 = vector.broadcast %mul3A_4 : i32 to vector<16xi32>
    %add3A_61 = arith.addi %shift_right_logical3A_59, %add3A_60 : vector<16xi32>
    %swap3A_62 = arith.constant 32 : index
    %swap3A_63 = tpu.vector_load %arg12[%swap3A_62] {strides = array<i32>} : memref<64xi32, #tpu.memory_space<vmem>>, vector<16xi32>,
    tpu.vector_store %arg12[%swap3A_62], %add3A_56 {strides = array<i32>} : memref<64xi32, #tpu.memory_space<vmem>>, vector<16xi32>,
    %swap3A_64 = arith.constant 48 : index
    %swap3A_65 = tpu.vector_load %arg12[%swap3A_64] {strides = array<i32>} : memref<64xi32, #tpu.memory_space<vmem>>, vector<16xi32>,
    tpu.vector_store %arg12[%swap3A_64], %add3A_61 {strides = array<i32>} : memref<64xi32, #tpu.memory_space<vmem>>, vector<16xi32>,
    %dma_start3A_66 = arith.constant 0 : i32
    %dma_start3A_67 = arith.constant 0 : i32
    %dma_start3A_68 = tpu.memref_slice %arg2[%dma_start3A_66, %dma_start3A_67] : memref<20000x128xf32, #tpu.memory_space<hbm>> -> memref<20000x128xf32, #tpu.memory_space<hbm>>
    tpu.enqueue_indirect_dma source(%dma_start3A_68 : memref<20000x128xf32, #tpu.memory_space<hbm>>) target(%arg16 : memref<64x128xf32, #tpu.memory_space<vmem>>) offsets(%arg12 : memref<64xi32, #tpu.memory_space<vmem>>) semaphore(%arg19 : memref<!tpu.dma_semaphore, #tpu.memory_space<semaphore_mem>>)
    %scan3A = arith.constant 0 : i32
    %scan3A_69 = arith.constant 0 : i32
    %scan3A_70 = arith.constant 0 : i32
    %scan3A_71 = arith.constant 80 : i32
    %scan3A_72 = arith.addi %scan3A_70, %scan3A_71 : i32
    %scan3A_73 = arith.constant 1 : i32
    %scan3A_74 = scf.for %scan3A_81 = %scan3A_70 to %scan3A_72 step %scan3A_73 iter_args(%scan3A_82 = %scan3A_69) -> (i32)  : i32 {
      %mul3A_83 = arith.constant 2 : i32
      %mul3A_84 = arith.muli %scan3A_81, %mul3A_83 : i32
      %mul3A_85 = arith.constant 2 : i32
      %mul3A_86 = arith.muli %scan3A_81, %mul3A_85 : i32
      %add3A_87 = arith.constant 1 : i32
      %add3A_88 = arith.addi %mul3A_86, %add3A_87 : i32
      %dma_wait3A = arith.constant 0 : i32
      %dma_wait3A_89 = arith.constant 0 : i32
      %dma_wait3A_90 = tpu.memref_slice %arg2[%dma_wait3A, %dma_wait3A_89] : memref<20000x128xf32, #tpu.memory_space<hbm>> -> memref<20000x128xf32, #tpu.memory_space<hbm>>
      tpu.wait_indirect_dma semaphore(%arg18 : memref<!tpu.dma_semaphore, #tpu.memory_space<semaphore_mem>>) src(%dma_wait3A_90 : memref<20000x128xf32, #tpu.memory_space<hbm>>) dst(%arg15 : memref<64x128xf32, #tpu.memory_space<vmem>>)
      %mul3A_91 = arith.constant 64 : i32
      %mul3A_92 = arith.muli %mul3A_84, %mul3A_91 : i32
      %scan3A_93 = arith.constant 0 : i32
      %scan3A_94 = arith.constant 0 : i32
      %scan3A_95 = arith.constant 32 : i32
      %scan3A_96 = arith.addi %scan3A_94, %scan3A_95 : i32
      %scan3A_97 = arith.constant 1 : i32
      %scan3A_98 = scf.for %scan3A_216 = %scan3A_94 to %scan3A_96 step %scan3A_97 iter_args(%scan3A_217 = %scan3A_93) -> (i32)  : i32 {
        %mul3A_218 = arith.constant 2 : i32
        %mul3A_219 = arith.muli %scan3A_216, %mul3A_218 : i32
        %add3A_220 = arith.addi %mul3A_92, %mul3A_219 : i32
        %add3A_221 = arith.constant 0 : i32
        %add3A_222 = arith.addi %add3A_220, %add3A_221 : i32
        %broadcast_in_dim3A = vector.broadcast %add3A_222 : i32 to vector<16xi32>
        %gather3A = tpu.vector_load_idx %arg10[%broadcast_in_dim3A] : memref<10240xf32, #tpu.memory_space<vmem>>[vector<16xi32>], vector<16xf32>,
        %add3A_223 = arith.constant 0 : i32
        %add3A_224 = arith.addi %mul3A_219, %add3A_223 : i32
        %get3A_225 = arith.index_cast %add3A_224 : i32 to index
        %get3A_226 = arith.constant 0 : index
        %get3A_227 = tpu.vector_load %arg15[%get3A_225, %get3A_226] {strides = array<i32>} : memref<64x128xf32, #tpu.memory_space<vmem>>, vector<16xf32>,
        %mul3A_228 = arith.mulf %get3A_227, %gather3A : vector<16xf32>
        %add3A_229 = arith.constant 0 : i32
        %add3A_230 = arith.addi %mul3A_219, %add3A_229 : i32
        %swap3A_231 = arith.index_cast %add3A_230 : i32 to index
        %swap3A_232 = arith.constant 0 : index
        %swap3A_233 = tpu.vector_load %arg15[%swap3A_231, %swap3A_232] {strides = array<i32>} : memref<64x128xf32, #tpu.memory_space<vmem>>, vector<16xf32>,
        tpu.vector_store %arg15[%swap3A_231, %swap3A_232], %mul3A_228 {strides = array<i32>} : memref<64x128xf32, #tpu.memory_space<vmem>>, vector<16xf32>,
        %add3A_234 = arith.constant 0 : i32
        %add3A_235 = arith.addi %mul3A_219, %add3A_234 : i32
        %get3A_236 = arith.index_cast %add3A_235 : i32 to index
        %get3A_237 = arith.constant 16 : index
        %get3A_238 = tpu.vector_load %arg15[%get3A_236, %get3A_237] {strides = array<i32>} : memref<64x128xf32, #tpu.memory_space<vmem>>, vector<16xf32>,
        %mul3A_239 = arith.mulf %get3A_238, %gather3A : vector<16xf32>
        %add3A_240 = arith.constant 0 : i32
        %add3A_241 = arith.addi %mul3A_219, %add3A_240 : i32
        %swap3A_242 = arith.index_cast %add3A_241 : i32 to index
        %swap3A_243 = arith.constant 16 : index
        %swap3A_244 = tpu.vector_load %arg15[%swap3A_242, %swap3A_243] {strides = array<i32>} : memref<64x128xf32, #tpu.memory_space<vmem>>, vector<16xf32>,
        tpu.vector_store %arg15[%swap3A_242, %swap3A_243], %mul3A_239 {strides = array<i32>} : memref<64x128xf32, #tpu.memory_space<vmem>>, vector<16xf32>,
        %add3A_245 = arith.constant 0 : i32
        %add3A_246 = arith.addi %mul3A_219, %add3A_245 : i32
        %get3A_247 = arith.index_cast %add3A_246 : i32 to index
        %get3A_248 = arith.constant 32 : index
        %get3A_249 = tpu.vector_load %arg15[%get3A_247, %get3A_248] {strides = array<i32>} : memref<64x128xf32, #tpu.memory_space<vmem>>, vector<16xf32>,
        %mul3A_250 = arith.mulf %get3A_249, %gather3A : vector<16xf32>
        %add3A_251 = arith.constant 0 : i32
        %add3A_252 = arith.addi %mul3A_219, %add3A_251 : i32
        %swap3A_253 = arith.index_cast %add3A_252 : i32 to index
        %swap3A_254 = arith.constant 32 : index
        %swap3A_255 = tpu.vector_load %arg15[%swap3A_253, %swap3A_254] {strides = array<i32>} : memref<64x128xf32, #tpu.memory_space<vmem>>, vector<16xf32>,
        tpu.vector_store %arg15[%swap3A_253, %swap3A_254], %mul3A_250 {strides = array<i32>} : memref<64x128xf32, #tpu.memory_space<vmem>>, vector<16xf32>,
        %add3A_256 = arith.constant 0 : i32
        %add3A_257 = arith.addi %mul3A_219, %add3A_256 : i32
        %get3A_258 = arith.index_cast %add3A_257 : i32 to index
        %get3A_259 = arith.constant 48 : index
        %get3A_260 = tpu.vector_load %arg15[%get3A_258, %get3A_259] {strides = array<i32>} : memref<64x128xf32, #tpu.memory_space<vmem>>, vector<16xf32>,
        %mul3A_261 = arith.mulf %get3A_260, %gather3A : vector<16xf32>
        %add3A_262 = arith.constant 0 : i32
        %add3A_263 = arith.addi %mul3A_219, %add3A_262 : i32
        %swap3A_264 = arith.index_cast %add3A_263 : i32 to index
        %swap3A_265 = arith.constant 48 : index
        %swap3A_266 = tpu.vector_load %arg15[%swap3A_264, %swap3A_265] {strides = array<i32>} : memref<64x128xf32, #tpu.memory_space<vmem>>, vector<16xf32>,
        tpu.vector_store %arg15[%swap3A_264, %swap3A_265], %mul3A_261 {strides = array<i32>} : memref<64x128xf32, #tpu.memory_space<vmem>>, vector<16xf32>,
        %add3A_267 = arith.constant 0 : i32
        %add3A_268 = arith.addi %mul3A_219, %add3A_267 : i32
        %get3A_269 = arith.index_cast %add3A_268 : i32 to index
        %get3A_270 = arith.constant 64 : index
        %get3A_271 = tpu.vector_load %arg15[%get3A_269, %get3A_270] {strides = array<i32>} : memref<64x128xf32, #tpu.memory_space<vmem>>, vector<16xf32>,
        %mul3A_272 = arith.mulf %get3A_271, %gather3A : vector<16xf32>
        %add3A_273 = arith.constant 0 : i32
        %add3A_274 = arith.addi %mul3A_219, %add3A_273 : i32
        %swap3A_275 = arith.index_cast %add3A_274 : i32 to index
        %swap3A_276 = arith.constant 64 : index
        %swap3A_277 = tpu.vector_load %arg15[%swap3A_275, %swap3A_276] {strides = array<i32>} : memref<64x128xf32, #tpu.memory_space<vmem>>, vector<16xf32>,
        tpu.vector_store %arg15[%swap3A_275, %swap3A_276], %mul3A_272 {strides = array<i32>} : memref<64x128xf32, #tpu.memory_space<vmem>>, vector<16xf32>,
        %add3A_278 = arith.constant 0 : i32
        %add3A_279 = arith.addi %mul3A_219, %add3A_278 : i32
        %get3A_280 = arith.index_cast %add3A_279 : i32 to index
        %get3A_281 = arith.constant 80 : index
        %get3A_282 = tpu.vector_load %arg15[%get3A_280, %get3A_281] {strides = array<i32>} : memref<64x128xf32, #tpu.memory_space<vmem>>, vector<16xf32>,
        %mul3A_283 = arith.mulf %get3A_282, %gather3A : vector<16xf32>
        %add3A_284 = arith.constant 0 : i32
        %add3A_285 = arith.addi %mul3A_219, %add3A_284 : i32
        %swap3A_286 = arith.index_cast %add3A_285 : i32 to index
        %swap3A_287 = arith.constant 80 : index
        %swap3A_288 = tpu.vector_load %arg15[%swap3A_286, %swap3A_287] {strides = array<i32>} : memref<64x128xf32, #tpu.memory_space<vmem>>, vector<16xf32>,
        tpu.vector_store %arg15[%swap3A_286, %swap3A_287], %mul3A_283 {strides = array<i32>} : memref<64x128xf32, #tpu.memory_space<vmem>>, vector<16xf32>,
        %add3A_289 = arith.constant 0 : i32
        %add3A_290 = arith.addi %mul3A_219, %add3A_289 : i32
        %get3A_291 = arith.index_cast %add3A_290 : i32 to index
        %get3A_292 = arith.constant 96 : index
        %get3A_293 = tpu.vector_load %arg15[%get3A_291, %get3A_292] {strides = array<i32>} : memref<64x128xf32, #tpu.memory_space<vmem>>, vector<16xf32>,
        %mul3A_294 = arith.mulf %get3A_293, %gather3A : vector<16xf32>
        %add3A_295 = arith.constant 0 : i32
        %add3A_296 = arith.addi %mul3A_219, %add3A_295 : i32
        %swap3A_297 = arith.index_cast %add3A_296 : i32 to index
        %swap3A_298 = arith.constant 96 : index
        %swap3A_299 = tpu.vector_load %arg15[%swap3A_297, %swap3A_298] {strides = array<i32>} : memref<64x128xf32, #tpu.memory_space<vmem>>, vector<16xf32>,
        tpu.vector_store %arg15[%swap3A_297, %swap3A_298], %mul3A_294 {strides = array<i32>} : memref<64x128xf32, #tpu.memory_space<vmem>>, vector<16xf32>,
        %add3A_300 = arith.constant 0 : i32
        %add3A_301 = arith.addi %mul3A_219, %add3A_300 : i32
        %get3A_302 = arith.index_cast %add3A_301 : i32 to index
        %get3A_303 = arith.constant 112 : index
        %get3A_304 = tpu.vector_load %arg15[%get3A_302, %get3A_303] {strides = array<i32>} : memref<64x128xf32, #tpu.memory_space<vmem>>, vector<16xf32>,
        %mul3A_305 = arith.mulf %get3A_304, %gather3A : vector<16xf32>
        %add3A_306 = arith.constant 0 : i32
        %add3A_307 = arith.addi %mul3A_219, %add3A_306 : i32
        %swap3A_308 = arith.index_cast %add3A_307 : i32 to index
        %swap3A_309 = arith.constant 112 : index
        %swap3A_310 = tpu.vector_load %arg15[%swap3A_308, %swap3A_309] {strides = array<i32>} : memref<64x128xf32, #tpu.memory_space<vmem>>, vector<16xf32>,
        tpu.vector_store %arg15[%swap3A_308, %swap3A_309], %mul3A_305 {strides = array<i32>} : memref<64x128xf32, #tpu.memory_space<vmem>>, vector<16xf32>,
        %add3A_311 = arith.addi %mul3A_92, %mul3A_219 : i32
        %add3A_312 = arith.constant 1 : i32
        %add3A_313 = arith.addi %add3A_311, %add3A_312 : i32
        %broadcast_in_dim3A_314 = vector.broadcast %add3A_313 : i32 to vector<16xi32>
        %gather3A_315 = tpu.vector_load_idx %arg10[%broadcast_in_dim3A_314] : memref<10240xf32, #tpu.memory_space<vmem>>[vector<16xi32>], vector<16xf32>,
        %add3A_316 = arith.constant 1 : i32
        %add3A_317 = arith.addi %mul3A_219, %add3A_316 : i32
        %get3A_318 = arith.index_cast %add3A_317 : i32 to index
        %get3A_319 = arith.constant 0 : index
        %get3A_320 = tpu.vector_load %arg15[%get3A_318, %get3A_319] {strides = array<i32>} : memref<64x128xf32, #tpu.memory_space<vmem>>, vector<16xf32>,
        %mul3A_321 = arith.mulf %get3A_320, %gather3A_315 : vector<16xf32>
        %add3A_322 = arith.constant 1 : i32
        %add3A_323 = arith.addi %mul3A_219, %add3A_322 : i32
        %swap3A_324 = arith.index_cast %add3A_323 : i32 to index
        %swap3A_325 = arith.constant 0 : index
        %swap3A_326 = tpu.vector_load %arg15[%swap3A_324, %swap3A_325] {strides = array<i32>} : memref<64x128xf32, #tpu.memory_space<vmem>>, vector<16xf32>,
        tpu.vector_store %arg15[%swap3A_324, %swap3A_325], %mul3A_321 {strides = array<i32>} : memref<64x128xf32, #tpu.memory_space<vmem>>, vector<16xf32>,
        %add3A_327 = arith.constant 1 : i32
        %add3A_328 = arith.addi %mul3A_219, %add3A_327 : i32
        %get3A_329 = arith.index_cast %add3A_328 : i32 to index
        %get3A_330 = arith.constant 16 : index
        %get3A_331 = tpu.vector_load %arg15[%get3A_329, %get3A_330] {strides = array<i32>} : memref<64x128xf32, #tpu.memory_space<vmem>>, vector<16xf32>,
        %mul3A_332 = arith.mulf %get3A_331, %gather3A_315 : vector<16xf32>
        %add3A_333 = arith.constant 1 : i32
        %add3A_334 = arith.addi %mul3A_219, %add3A_333 : i32
        %swap3A_335 = arith.index_cast %add3A_334 : i32 to index
        %swap3A_336 = arith.constant 16 : index
        %swap3A_337 = tpu.vector_load %arg15[%swap3A_335, %swap3A_336] {strides = array<i32>} : memref<64x128xf32, #tpu.memory_space<vmem>>, vector<16xf32>,
        tpu.vector_store %arg15[%swap3A_335, %swap3A_336], %mul3A_332 {strides = array<i32>} : memref<64x128xf32, #tpu.memory_space<vmem>>, vector<16xf32>,
        %add3A_338 = arith.constant 1 : i32
        %add3A_339 = arith.addi %mul3A_219, %add3A_338 : i32
        %get3A_340 = arith.index_cast %add3A_339 : i32 to index
        %get3A_341 = arith.constant 32 : index
        %get3A_342 = tpu.vector_load %arg15[%get3A_340, %get3A_341] {strides = array<i32>} : memref<64x128xf32, #tpu.memory_space<vmem>>, vector<16xf32>,
        %mul3A_343 = arith.mulf %get3A_342, %gather3A_315 : vector<16xf32>
        %add3A_344 = arith.constant 1 : i32
        %add3A_345 = arith.addi %mul3A_219, %add3A_344 : i32
        %swap3A_346 = arith.index_cast %add3A_345 : i32 to index
        %swap3A_347 = arith.constant 32 : index
        %swap3A_348 = tpu.vector_load %arg15[%swap3A_346, %swap3A_347] {strides = array<i32>} : memref<64x128xf32, #tpu.memory_space<vmem>>, vector<16xf32>,
        tpu.vector_store %arg15[%swap3A_346, %swap3A_347], %mul3A_343 {strides = array<i32>} : memref<64x128xf32, #tpu.memory_space<vmem>>, vector<16xf32>,
        %add3A_349 = arith.constant 1 : i32
        %add3A_350 = arith.addi %mul3A_219, %add3A_349 : i32
        %get3A_351 = arith.index_cast %add3A_350 : i32 to index
        %get3A_352 = arith.constant 48 : index
        %get3A_353 = tpu.vector_load %arg15[%get3A_351, %get3A_352] {strides = array<i32>} : memref<64x128xf32, #tpu.memory_space<vmem>>, vector<16xf32>,
        %mul3A_354 = arith.mulf %get3A_353, %gather3A_315 : vector<16xf32>
        %add3A_355 = arith.constant 1 : i32
        %add3A_356 = arith.addi %mul3A_219, %add3A_355 : i32
        %swap3A_357 = arith.index_cast %add3A_356 : i32 to index
        %swap3A_358 = arith.constant 48 : index
        %swap3A_359 = tpu.vector_load %arg15[%swap3A_357, %swap3A_358] {strides = array<i32>} : memref<64x128xf32, #tpu.memory_space<vmem>>, vector<16xf32>,
        tpu.vector_store %arg15[%swap3A_357, %swap3A_358], %mul3A_354 {strides = array<i32>} : memref<64x128xf32, #tpu.memory_space<vmem>>, vector<16xf32>,
        %add3A_360 = arith.constant 1 : i32
        %add3A_361 = arith.addi %mul3A_219, %add3A_360 : i32
        %get3A_362 = arith.index_cast %add3A_361 : i32 to index
        %get3A_363 = arith.constant 64 : index
        %get3A_364 = tpu.vector_load %arg15[%get3A_362, %get3A_363] {strides = array<i32>} : memref<64x128xf32, #tpu.memory_space<vmem>>, vector<16xf32>,
        %mul3A_365 = arith.mulf %get3A_364, %gather3A_315 : vector<16xf32>
        %add3A_366 = arith.constant 1 : i32
        %add3A_367 = arith.addi %mul3A_219, %add3A_366 : i32
        %swap3A_368 = arith.index_cast %add3A_367 : i32 to index
        %swap3A_369 = arith.constant 64 : index
        %swap3A_370 = tpu.vector_load %arg15[%swap3A_368, %swap3A_369] {strides = array<i32>} : memref<64x128xf32, #tpu.memory_space<vmem>>, vector<16xf32>,
        tpu.vector_store %arg15[%swap3A_368, %swap3A_369], %mul3A_365 {strides = array<i32>} : memref<64x128xf32, #tpu.memory_space<vmem>>, vector<16xf32>,
        %add3A_371 = arith.constant 1 : i32
        %add3A_372 = arith.addi %mul3A_219, %add3A_371 : i32
        %get3A_373 = arith.index_cast %add3A_372 : i32 to index
        %get3A_374 = arith.constant 80 : index
        %get3A_375 = tpu.vector_load %arg15[%get3A_373, %get3A_374] {strides = array<i32>} : memref<64x128xf32, #tpu.memory_space<vmem>>, vector<16xf32>,
        %mul3A_376 = arith.mulf %get3A_375, %gather3A_315 : vector<16xf32>
        %add3A_377 = arith.constant 1 : i32
        %add3A_378 = arith.addi %mul3A_219, %add3A_377 : i32
        %swap3A_379 = arith.index_cast %add3A_378 : i32 to index
        %swap3A_380 = arith.constant 80 : index
        %swap3A_381 = tpu.vector_load %arg15[%swap3A_379, %swap3A_380] {strides = array<i32>} : memref<64x128xf32, #tpu.memory_space<vmem>>, vector<16xf32>,
        tpu.vector_store %arg15[%swap3A_379, %swap3A_380], %mul3A_376 {strides = array<i32>} : memref<64x128xf32, #tpu.memory_space<vmem>>, vector<16xf32>,
        %add3A_382 = arith.constant 1 : i32
        %add3A_383 = arith.addi %mul3A_219, %add3A_382 : i32
        %get3A_384 = arith.index_cast %add3A_383 : i32 to index
        %get3A_385 = arith.constant 96 : index
        %get3A_386 = tpu.vector_load %arg15[%get3A_384, %get3A_385] {strides = array<i32>} : memref<64x128xf32, #tpu.memory_space<vmem>>, vector<16xf32>,
        %mul3A_387 = arith.mulf %get3A_386, %gather3A_315 : vector<16xf32>
        %add3A_388 = arith.constant 1 : i32
        %add3A_389 = arith.addi %mul3A_219, %add3A_388 : i32
        %swap3A_390 = arith.index_cast %add3A_389 : i32 to index
        %swap3A_391 = arith.constant 96 : index
        %swap3A_392 = tpu.vector_load %arg15[%swap3A_390, %swap3A_391] {strides = array<i32>} : memref<64x128xf32, #tpu.memory_space<vmem>>, vector<16xf32>,
        tpu.vector_store %arg15[%swap3A_390, %swap3A_391], %mul3A_387 {strides = array<i32>} : memref<64x128xf32, #tpu.memory_space<vmem>>, vector<16xf32>,
        %add3A_393 = arith.constant 1 : i32
        %add3A_394 = arith.addi %mul3A_219, %add3A_393 : i32
        %get3A_395 = arith.index_cast %add3A_394 : i32 to index
        %get3A_396 = arith.constant 112 : index
        %get3A_397 = tpu.vector_load %arg15[%get3A_395, %get3A_396] {strides = array<i32>} : memref<64x128xf32, #tpu.memory_space<vmem>>, vector<16xf32>,
        %mul3A_398 = arith.mulf %get3A_397, %gather3A_315 : vector<16xf32>
        %add3A_399 = arith.constant 1 : i32
        %add3A_400 = arith.addi %mul3A_219, %add3A_399 : i32
        %swap3A_401 = arith.index_cast %add3A_400 : i32 to index
        %swap3A_402 = arith.constant 112 : index
        %swap3A_403 = tpu.vector_load %arg15[%swap3A_401, %swap3A_402] {strides = array<i32>} : memref<64x128xf32, #tpu.memory_space<vmem>>, vector<16xf32>,
        tpu.vector_store %arg15[%swap3A_401, %swap3A_402], %mul3A_398 {strides = array<i32>} : memref<64x128xf32, #tpu.memory_space<vmem>>, vector<16xf32>,
        %scan3A_404 = arith.constant 0 : i32
        scf.yield %scan3A_404 : i32
      }
      %scan3A_99 = arith.constant 32 : i32
      %mul3A_100 = arith.constant 32 : i32
      %mul3A_101 = arith.muli %mul3A_84, %mul3A_100 : i32
      %add3A_102 = arith.constant 0 : i32
      %add3A_103 = arith.addi %mul3A_101, %add3A_102 : i32
      %get3A_104 = arith.index_cast %add3A_103 : i32 to index
      %get3A_105 = tpu.vector_load %arg9[%get3A_104] {strides = array<i32>} : memref<5120xi32, #tpu.memory_space<vmem>>, vector<16xi32>,
      %and3A_106 = arith.constant 65535 : i32
      %and3A_107 = vector.broadcast %and3A_106 : i32 to vector<16xi32>
      %and3A_108 = arith.andi %get3A_105, %and3A_107 : vector<16xi32>
      %add3A_109 = vector.broadcast %scan3A : i32 to vector<16xi32>
      %add3A_110 = arith.addi %and3A_108, %add3A_109 : vector<16xi32>
      %shift_right_logical3A_111 = arith.constant 16 : i32
      %shift_right_logical3A_112 = vector.broadcast %shift_right_logical3A_111 : i32 to vector<16xi32>
      %shift_right_logical3A_113 = arith.shrui %get3A_105, %shift_right_logical3A_112 : vector<16xi32>
      %add3A_114 = vector.broadcast %scan3A : i32 to vector<16xi32>
      %add3A_115 = arith.addi %shift_right_logical3A_113, %add3A_114 : vector<16xi32>
      %swap3A_116 = arith.constant 0 : index
      %swap3A_117 = tpu.vector_load %arg13[%swap3A_116] {strides = array<i32>} : memref<64xi32, #tpu.memory_space<vmem>>, vector<16xi32>,
      tpu.vector_store %arg13[%swap3A_116], %add3A_110 {strides = array<i32>} : memref<64xi32, #tpu.memory_space<vmem>>, vector<16xi32>,
      %swap3A_118 = arith.constant 16 : index
      %swap3A_119 = tpu.vector_load %arg13[%swap3A_118] {strides = array<i32>} : memref<64xi32, #tpu.memory_space<vmem>>, vector<16xi32>,
      tpu.vector_store %arg13[%swap3A_118], %add3A_115 {strides = array<i32>} : memref<64xi32, #tpu.memory_space<vmem>>, vector<16xi32>,
      %mul3A_120 = arith.constant 32 : i32
      %mul3A_121 = arith.muli %mul3A_84, %mul3A_120 : i32
      %add3A_122 = arith.constant 16 : i32
      %add3A_123 = arith.addi %mul3A_121, %add3A_122 : i32
      %get3A_124 = arith.index_cast %add3A_123 : i32 to index
      %get3A_125 = tpu.vector_load %arg9[%get3A_124] {strides = array<i32>} : memref<5120xi32, #tpu.memory_space<vmem>>, vector<16xi32>,
      %and3A_126 = arith.constant 65535 : i32
      %and3A_127 = vector.broadcast %and3A_126 : i32 to vector<16xi32>
      %and3A_128 = arith.andi %get3A_125, %and3A_127 : vector<16xi32>
      %add3A_129 = vector.broadcast %scan3A : i32 to vector<16xi32>
      %add3A_130 = arith.addi %and3A_128, %add3A_129 : vector<16xi32>
      %shift_right_logical3A_131 = arith.constant 16 : i32
      %shift_right_logical3A_132 = vector.broadcast %shift_right_logical3A_131 : i32 to vector<16xi32>
      %shift_right_logical3A_133 = arith.shrui %get3A_125, %shift_right_logical3A_132 : vector<16xi32>
      %add3A_134 = vector.broadcast %scan3A : i32 to vector<16xi32>
      %add3A_135 = arith.addi %shift_right_logical3A_133, %add3A_134 : vector<16xi32>
      %swap3A_136 = arith.constant 32 : index
      %swap3A_137 = tpu.vector_load %arg13[%swap3A_136] {strides = array<i32>} : memref<64xi32, #tpu.memory_space<vmem>>, vector<16xi32>,
      tpu.vector_store %arg13[%swap3A_136], %add3A_130 {strides = array<i32>} : memref<64xi32, #tpu.memory_space<vmem>>, vector<16xi32>,
      %swap3A_138 = arith.constant 48 : index
      %swap3A_139 = tpu.vector_load %arg13[%swap3A_138] {strides = array<i32>} : memref<64xi32, #tpu.memory_space<vmem>>, vector<16xi32>,
      tpu.vector_store %arg13[%swap3A_138], %add3A_135 {strides = array<i32>} : memref<64xi32, #tpu.memory_space<vmem>>, vector<16xi32>,
      %dma_start3A_140 = arith.constant 0 : i32
      %dma_start3A_141 = arith.constant 0 : i32
      %dma_start3A_142 = tpu.memref_slice %arg17[%dma_start3A_140, %dma_start3A_141] : memref<10112x128xf32, #tpu.memory_space<vmem_shared>> -> memref<10112x128xf32, #tpu.memory_space<vmem_shared>>
      tpu.enqueue_indirect_dma source(%arg15 : memref<64x128xf32, #tpu.memory_space<vmem>>) target(%dma_start3A_142 : memref<10112x128xf32, #tpu.memory_space<vmem_shared>>) offsets(%arg13 : memref<64xi32, #tpu.memory_space<vmem>>) semaphore(%arg20 : memref<!tpu.dma_semaphore, #tpu.memory_space<semaphore_mem>>) {add = true}
      %dma_wait3A_143 = arith.constant 0 : i32
      %dma_wait3A_144 = arith.constant 0 : i32
      %dma_wait3A_145 = tpu.memref_slice %arg2[%dma_wait3A_143, %dma_wait3A_144] : memref<20000x128xf32, #tpu.memory_space<hbm>> -> memref<20000x128xf32, #tpu.memory_space<hbm>>
      tpu.wait_indirect_dma semaphore(%arg19 : memref<!tpu.dma_semaphore, #tpu.memory_space<semaphore_mem>>) src(%dma_wait3A_145 : memref<20000x128xf32, #tpu.memory_space<hbm>>) dst(%arg16 : memref<64x128xf32, #tpu.memory_space<vmem>>)
      %mul3A_146 = arith.constant 64 : i32
      %mul3A_147 = arith.muli %add3A_88, %mul3A_146 : i32
      %scan3A_148 = arith.constant 0 : i32
      %scan3A_149 = arith.constant 0 : i32
      %scan3A_150 = arith.constant 32 : i32
      %scan3A_151 = arith.addi %scan3A_149, %scan3A_150 : i32
      %scan3A_152 = arith.constant 1 : i32
      %scan3A_153 = scf.for %scan3A_216 = %scan3A_149 to %scan3A_151 step %scan3A_152 iter_args(%scan3A_217 = %scan3A_148) -> (i32)  : i32 {
        %mul3A_218 = arith.constant 2 : i32
        %mul3A_219 = arith.muli %scan3A_216, %mul3A_218 : i32
        %add3A_220 = arith.addi %mul3A_147, %mul3A_219 : i32
        %add3A_221 = arith.constant 0 : i32
        %add3A_222 = arith.addi %add3A_220, %add3A_221 : i32
        %broadcast_in_dim3A = vector.broadcast %add3A_222 : i32 to vector<16xi32>
        %gather3A = tpu.vector_load_idx %arg10[%broadcast_in_dim3A] : memref<10240xf32, #tpu.memory_space<vmem>>[vector<16xi32>], vector<16xf32>,
        %add3A_223 = arith.constant 0 : i32
        %add3A_224 = arith.addi %mul3A_219, %add3A_223 : i32
        %get3A_225 = arith.index_cast %add3A_224 : i32 to index
        %get3A_226 = arith.constant 0 : index
        %get3A_227 = tpu.vector_load %arg16[%get3A_225, %get3A_226] {strides = array<i32>} : memref<64x128xf32, #tpu.memory_space<vmem>>, vector<16xf32>,
        %mul3A_228 = arith.mulf %get3A_227, %gather3A : vector<16xf32>
        %add3A_229 = arith.constant 0 : i32
        %add3A_230 = arith.addi %mul3A_219, %add3A_229 : i32
        %swap3A_231 = arith.index_cast %add3A_230 : i32 to index
        %swap3A_232 = arith.constant 0 : index
        %swap3A_233 = tpu.vector_load %arg16[%swap3A_231, %swap3A_232] {strides = array<i32>} : memref<64x128xf32, #tpu.memory_space<vmem>>, vector<16xf32>,
        tpu.vector_store %arg16[%swap3A_231, %swap3A_232], %mul3A_228 {strides = array<i32>} : memref<64x128xf32, #tpu.memory_space<vmem>>, vector<16xf32>,
        %add3A_234 = arith.constant 0 : i32
        %add3A_235 = arith.addi %mul3A_219, %add3A_234 : i32
        %get3A_236 = arith.index_cast %add3A_235 : i32 to index
        %get3A_237 = arith.constant 16 : index
        %get3A_238 = tpu.vector_load %arg16[%get3A_236, %get3A_237] {strides = array<i32>} : memref<64x128xf32, #tpu.memory_space<vmem>>, vector<16xf32>,
        %mul3A_239 = arith.mulf %get3A_238, %gather3A : vector<16xf32>
        %add3A_240 = arith.constant 0 : i32
        %add3A_241 = arith.addi %mul3A_219, %add3A_240 : i32
        %swap3A_242 = arith.index_cast %add3A_241 : i32 to index
        %swap3A_243 = arith.constant 16 : index
        %swap3A_244 = tpu.vector_load %arg16[%swap3A_242, %swap3A_243] {strides = array<i32>} : memref<64x128xf32, #tpu.memory_space<vmem>>, vector<16xf32>,
        tpu.vector_store %arg16[%swap3A_242, %swap3A_243], %mul3A_239 {strides = array<i32>} : memref<64x128xf32, #tpu.memory_space<vmem>>, vector<16xf32>,
        %add3A_245 = arith.constant 0 : i32
        %add3A_246 = arith.addi %mul3A_219, %add3A_245 : i32
        %get3A_247 = arith.index_cast %add3A_246 : i32 to index
        %get3A_248 = arith.constant 32 : index
        %get3A_249 = tpu.vector_load %arg16[%get3A_247, %get3A_248] {strides = array<i32>} : memref<64x128xf32, #tpu.memory_space<vmem>>, vector<16xf32>,
        %mul3A_250 = arith.mulf %get3A_249, %gather3A : vector<16xf32>
        %add3A_251 = arith.constant 0 : i32
        %add3A_252 = arith.addi %mul3A_219, %add3A_251 : i32
        %swap3A_253 = arith.index_cast %add3A_252 : i32 to index
        %swap3A_254 = arith.constant 32 : index
        %swap3A_255 = tpu.vector_load %arg16[%swap3A_253, %swap3A_254] {strides = array<i32>} : memref<64x128xf32, #tpu.memory_space<vmem>>, vector<16xf32>,
        tpu.vector_store %arg16[%swap3A_253, %swap3A_254], %mul3A_250 {strides = array<i32>} : memref<64x128xf32, #tpu.memory_space<vmem>>, vector<16xf32>,
        %add3A_256 = arith.constant 0 : i32
        %add3A_257 = arith.addi %mul3A_219, %add3A_256 : i32
        %get3A_258 = arith.index_cast %add3A_257 : i32 to index
        %get3A_259 = arith.constant 48 : index
        %get3A_260 = tpu.vector_load %arg16[%get3A_258, %get3A_259] {strides = array<i32>} : memref<64x128xf32, #tpu.memory_space<vmem>>, vector<16xf32>,
        %mul3A_261 = arith.mulf %get3A_260, %gather3A : vector<16xf32>
        %add3A_262 = arith.constant 0 : i32
        %add3A_263 = arith.addi %mul3A_219, %add3A_262 : i32
        %swap3A_264 = arith.index_cast %add3A_263 : i32 to index
        %swap3A_265 = arith.constant 48 : index
        %swap3A_266 = tpu.vector_load %arg16[%swap3A_264, %swap3A_265] {strides = array<i32>} : memref<64x128xf32, #tpu.memory_space<vmem>>, vector<16xf32>,
        tpu.vector_store %arg16[%swap3A_264, %swap3A_265], %mul3A_261 {strides = array<i32>} : memref<64x128xf32, #tpu.memory_space<vmem>>, vector<16xf32>,
        %add3A_267 = arith.constant 0 : i32
        %add3A_268 = arith.addi %mul3A_219, %add3A_267 : i32
        %get3A_269 = arith.index_cast %add3A_268 : i32 to index
        %get3A_270 = arith.constant 64 : index
        %get3A_271 = tpu.vector_load %arg16[%get3A_269, %get3A_270] {strides = array<i32>} : memref<64x128xf32, #tpu.memory_space<vmem>>, vector<16xf32>,
        %mul3A_272 = arith.mulf %get3A_271, %gather3A : vector<16xf32>
        %add3A_273 = arith.constant 0 : i32
        %add3A_274 = arith.addi %mul3A_219, %add3A_273 : i32
        %swap3A_275 = arith.index_cast %add3A_274 : i32 to index
        %swap3A_276 = arith.constant 64 : index
        %swap3A_277 = tpu.vector_load %arg16[%swap3A_275, %swap3A_276] {strides = array<i32>} : memref<64x128xf32, #tpu.memory_space<vmem>>, vector<16xf32>,
        tpu.vector_store %arg16[%swap3A_275, %swap3A_276], %mul3A_272 {strides = array<i32>} : memref<64x128xf32, #tpu.memory_space<vmem>>, vector<16xf32>,
        %add3A_278 = arith.constant 0 : i32
        %add3A_279 = arith.addi %mul3A_219, %add3A_278 : i32
        %get3A_280 = arith.index_cast %add3A_279 : i32 to index
        %get3A_281 = arith.constant 80 : index
        %get3A_282 = tpu.vector_load %arg16[%get3A_280, %get3A_281] {strides = array<i32>} : memref<64x128xf32, #tpu.memory_space<vmem>>, vector<16xf32>,
        %mul3A_283 = arith.mulf %get3A_282, %gather3A : vector<16xf32>
        %add3A_284 = arith.constant 0 : i32
        %add3A_285 = arith.addi %mul3A_219, %add3A_284 : i32
        %swap3A_286 = arith.index_cast %add3A_285 : i32 to index
        %swap3A_287 = arith.constant 80 : index
        %swap3A_288 = tpu.vector_load %arg16[%swap3A_286, %swap3A_287] {strides = array<i32>} : memref<64x128xf32, #tpu.memory_space<vmem>>, vector<16xf32>,
        tpu.vector_store %arg16[%swap3A_286, %swap3A_287], %mul3A_283 {strides = array<i32>} : memref<64x128xf32, #tpu.memory_space<vmem>>, vector<16xf32>,
        %add3A_289 = arith.constant 0 : i32
        %add3A_290 = arith.addi %mul3A_219, %add3A_289 : i32
        %get3A_291 = arith.index_cast %add3A_290 : i32 to index
        %get3A_292 = arith.constant 96 : index
        %get3A_293 = tpu.vector_load %arg16[%get3A_291, %get3A_292] {strides = array<i32>} : memref<64x128xf32, #tpu.memory_space<vmem>>, vector<16xf32>,
        %mul3A_294 = arith.mulf %get3A_293, %gather3A : vector<16xf32>
        %add3A_295 = arith.constant 0 : i32
        %add3A_296 = arith.addi %mul3A_219, %add3A_295 : i32
        %swap3A_297 = arith.index_cast %add3A_296 : i32 to index
        %swap3A_298 = arith.constant 96 : index
        %swap3A_299 = tpu.vector_load %arg16[%swap3A_297, %swap3A_298] {strides = array<i32>} : memref<64x128xf32, #tpu.memory_space<vmem>>, vector<16xf32>,
        tpu.vector_store %arg16[%swap3A_297, %swap3A_298], %mul3A_294 {strides = array<i32>} : memref<64x128xf32, #tpu.memory_space<vmem>>, vector<16xf32>,
        %add3A_300 = arith.constant 0 : i32
        %add3A_301 = arith.addi %mul3A_219, %add3A_300 : i32
        %get3A_302 = arith.index_cast %add3A_301 : i32 to index
        %get3A_303 = arith.constant 112 : index
        %get3A_304 = tpu.vector_load %arg16[%get3A_302, %get3A_303] {strides = array<i32>} : memref<64x128xf32, #tpu.memory_space<vmem>>, vector<16xf32>,
        %mul3A_305 = arith.mulf %get3A_304, %gather3A : vector<16xf32>
        %add3A_306 = arith.constant 0 : i32
        %add3A_307 = arith.addi %mul3A_219, %add3A_306 : i32
        %swap3A_308 = arith.index_cast %add3A_307 : i32 to index
        %swap3A_309 = arith.constant 112 : index
        %swap3A_310 = tpu.vector_load %arg16[%swap3A_308, %swap3A_309] {strides = array<i32>} : memref<64x128xf32, #tpu.memory_space<vmem>>, vector<16xf32>,
        tpu.vector_store %arg16[%swap3A_308, %swap3A_309], %mul3A_305 {strides = array<i32>} : memref<64x128xf32, #tpu.memory_space<vmem>>, vector<16xf32>,
        %add3A_311 = arith.addi %mul3A_147, %mul3A_219 : i32
        %add3A_312 = arith.constant 1 : i32
        %add3A_313 = arith.addi %add3A_311, %add3A_312 : i32
        %broadcast_in_dim3A_314 = vector.broadcast %add3A_313 : i32 to vector<16xi32>
        %gather3A_315 = tpu.vector_load_idx %arg10[%broadcast_in_dim3A_314] : memref<10240xf32, #tpu.memory_space<vmem>>[vector<16xi32>], vector<16xf32>,
        %add3A_316 = arith.constant 1 : i32
        %add3A_317 = arith.addi %mul3A_219, %add3A_316 : i32
        %get3A_318 = arith.index_cast %add3A_317 : i32 to index
        %get3A_319 = arith.constant 0 : index
        %get3A_320 = tpu.vector_load %arg16[%get3A_318, %get3A_319] {strides = array<i32>} : memref<64x128xf32, #tpu.memory_space<vmem>>, vector<16xf32>,
        %mul3A_321 = arith.mulf %get3A_320, %gather3A_315 : vector<16xf32>
        %add3A_322 = arith.constant 1 : i32
        %add3A_323 = arith.addi %mul3A_219, %add3A_322 : i32
        %swap3A_324 = arith.index_cast %add3A_323 : i32 to index
        %swap3A_325 = arith.constant 0 : index
        %swap3A_326 = tpu.vector_load %arg16[%swap3A_324, %swap3A_325] {strides = array<i32>} : memref<64x128xf32, #tpu.memory_space<vmem>>, vector<16xf32>,
        tpu.vector_store %arg16[%swap3A_324, %swap3A_325], %mul3A_321 {strides = array<i32>} : memref<64x128xf32, #tpu.memory_space<vmem>>, vector<16xf32>,
        %add3A_327 = arith.constant 1 : i32
        %add3A_328 = arith.addi %mul3A_219, %add3A_327 : i32
        %get3A_329 = arith.index_cast %add3A_328 : i32 to index
        %get3A_330 = arith.constant 16 : index
        %get3A_331 = tpu.vector_load %arg16[%get3A_329, %get3A_330] {strides = array<i32>} : memref<64x128xf32, #tpu.memory_space<vmem>>, vector<16xf32>,
        %mul3A_332 = arith.mulf %get3A_331, %gather3A_315 : vector<16xf32>
        %add3A_333 = arith.constant 1 : i32
        %add3A_334 = arith.addi %mul3A_219, %add3A_333 : i32
        %swap3A_335 = arith.index_cast %add3A_334 : i32 to index
        %swap3A_336 = arith.constant 16 : index
        %swap3A_337 = tpu.vector_load %arg16[%swap3A_335, %swap3A_336] {strides = array<i32>} : memref<64x128xf32, #tpu.memory_space<vmem>>, vector<16xf32>,
        tpu.vector_store %arg16[%swap3A_335, %swap3A_336], %mul3A_332 {strides = array<i32>} : memref<64x128xf32, #tpu.memory_space<vmem>>, vector<16xf32>,
        %add3A_338 = arith.constant 1 : i32
        %add3A_339 = arith.addi %mul3A_219, %add3A_338 : i32
        %get3A_340 = arith.index_cast %add3A_339 : i32 to index
        %get3A_341 = arith.constant 32 : index
        %get3A_342 = tpu.vector_load %arg16[%get3A_340, %get3A_341] {strides = array<i32>} : memref<64x128xf32, #tpu.memory_space<vmem>>, vector<16xf32>,
        %mul3A_343 = arith.mulf %get3A_342, %gather3A_315 : vector<16xf32>
        %add3A_344 = arith.constant 1 : i32
        %add3A_345 = arith.addi %mul3A_219, %add3A_344 : i32
        %swap3A_346 = arith.index_cast %add3A_345 : i32 to index
        %swap3A_347 = arith.constant 32 : index
        %swap3A_348 = tpu.vector_load %arg16[%swap3A_346, %swap3A_347] {strides = array<i32>} : memref<64x128xf32, #tpu.memory_space<vmem>>, vector<16xf32>,
        tpu.vector_store %arg16[%swap3A_346, %swap3A_347], %mul3A_343 {strides = array<i32>} : memref<64x128xf32, #tpu.memory_space<vmem>>, vector<16xf32>,
        %add3A_349 = arith.constant 1 : i32
        %add3A_350 = arith.addi %mul3A_219, %add3A_349 : i32
        %get3A_351 = arith.index_cast %add3A_350 : i32 to index
        %get3A_352 = arith.constant 48 : index
        %get3A_353 = tpu.vector_load %arg16[%get3A_351, %get3A_352] {strides = array<i32>} : memref<64x128xf32, #tpu.memory_space<vmem>>, vector<16xf32>,
        %mul3A_354 = arith.mulf %get3A_353, %gather3A_315 : vector<16xf32>
        %add3A_355 = arith.constant 1 : i32
        %add3A_356 = arith.addi %mul3A_219, %add3A_355 : i32
        %swap3A_357 = arith.index_cast %add3A_356 : i32 to index
        %swap3A_358 = arith.constant 48 : index
        %swap3A_359 = tpu.vector_load %arg16[%swap3A_357, %swap3A_358] {strides = array<i32>} : memref<64x128xf32, #tpu.memory_space<vmem>>, vector<16xf32>,
        tpu.vector_store %arg16[%swap3A_357, %swap3A_358], %mul3A_354 {strides = array<i32>} : memref<64x128xf32, #tpu.memory_space<vmem>>, vector<16xf32>,
        %add3A_360 = arith.constant 1 : i32
        %add3A_361 = arith.addi %mul3A_219, %add3A_360 : i32
        %get3A_362 = arith.index_cast %add3A_361 : i32 to index
        %get3A_363 = arith.constant 64 : index
        %get3A_364 = tpu.vector_load %arg16[%get3A_362, %get3A_363] {strides = array<i32>} : memref<64x128xf32, #tpu.memory_space<vmem>>, vector<16xf32>,
        %mul3A_365 = arith.mulf %get3A_364, %gather3A_315 : vector<16xf32>
        %add3A_366 = arith.constant 1 : i32
        %add3A_367 = arith.addi %mul3A_219, %add3A_366 : i32
        %swap3A_368 = arith.index_cast %add3A_367 : i32 to index
        %swap3A_369 = arith.constant 64 : index
        %swap3A_370 = tpu.vector_load %arg16[%swap3A_368, %swap3A_369] {strides = array<i32>} : memref<64x128xf32, #tpu.memory_space<vmem>>, vector<16xf32>,
        tpu.vector_store %arg16[%swap3A_368, %swap3A_369], %mul3A_365 {strides = array<i32>} : memref<64x128xf32, #tpu.memory_space<vmem>>, vector<16xf32>,
        %add3A_371 = arith.constant 1 : i32
        %add3A_372 = arith.addi %mul3A_219, %add3A_371 : i32
        %get3A_373 = arith.index_cast %add3A_372 : i32 to index
        %get3A_374 = arith.constant 80 : index
        %get3A_375 = tpu.vector_load %arg16[%get3A_373, %get3A_374] {strides = array<i32>} : memref<64x128xf32, #tpu.memory_space<vmem>>, vector<16xf32>,
        %mul3A_376 = arith.mulf %get3A_375, %gather3A_315 : vector<16xf32>
        %add3A_377 = arith.constant 1 : i32
        %add3A_378 = arith.addi %mul3A_219, %add3A_377 : i32
        %swap3A_379 = arith.index_cast %add3A_378 : i32 to index
        %swap3A_380 = arith.constant 80 : index
        %swap3A_381 = tpu.vector_load %arg16[%swap3A_379, %swap3A_380] {strides = array<i32>} : memref<64x128xf32, #tpu.memory_space<vmem>>, vector<16xf32>,
        tpu.vector_store %arg16[%swap3A_379, %swap3A_380], %mul3A_376 {strides = array<i32>} : memref<64x128xf32, #tpu.memory_space<vmem>>, vector<16xf32>,
        %add3A_382 = arith.constant 1 : i32
        %add3A_383 = arith.addi %mul3A_219, %add3A_382 : i32
        %get3A_384 = arith.index_cast %add3A_383 : i32 to index
        %get3A_385 = arith.constant 96 : index
        %get3A_386 = tpu.vector_load %arg16[%get3A_384, %get3A_385] {strides = array<i32>} : memref<64x128xf32, #tpu.memory_space<vmem>>, vector<16xf32>,
        %mul3A_387 = arith.mulf %get3A_386, %gather3A_315 : vector<16xf32>
        %add3A_388 = arith.constant 1 : i32
        %add3A_389 = arith.addi %mul3A_219, %add3A_388 : i32
        %swap3A_390 = arith.index_cast %add3A_389 : i32 to index
        %swap3A_391 = arith.constant 96 : index
        %swap3A_392 = tpu.vector_load %arg16[%swap3A_390, %swap3A_391] {strides = array<i32>} : memref<64x128xf32, #tpu.memory_space<vmem>>, vector<16xf32>,
        tpu.vector_store %arg16[%swap3A_390, %swap3A_391], %mul3A_387 {strides = array<i32>} : memref<64x128xf32, #tpu.memory_space<vmem>>, vector<16xf32>,
        %add3A_393 = arith.constant 1 : i32
        %add3A_394 = arith.addi %mul3A_219, %add3A_393 : i32
        %get3A_395 = arith.index_cast %add3A_394 : i32 to index
        %get3A_396 = arith.constant 112 : index
        %get3A_397 = tpu.vector_load %arg16[%get3A_395, %get3A_396] {strides = array<i32>} : memref<64x128xf32, #tpu.memory_space<vmem>>, vector<16xf32>,
        %mul3A_398 = arith.mulf %get3A_397, %gather3A_315 : vector<16xf32>
        %add3A_399 = arith.constant 1 : i32
        %add3A_400 = arith.addi %mul3A_219, %add3A_399 : i32
        %swap3A_401 = arith.index_cast %add3A_400 : i32 to index
        %swap3A_402 = arith.constant 112 : index
        %swap3A_403 = tpu.vector_load %arg16[%swap3A_401, %swap3A_402] {strides = array<i32>} : memref<64x128xf32, #tpu.memory_space<vmem>>, vector<16xf32>,
        tpu.vector_store %arg16[%swap3A_401, %swap3A_402], %mul3A_398 {strides = array<i32>} : memref<64x128xf32, #tpu.memory_space<vmem>>, vector<16xf32>,
        %scan3A_404 = arith.constant 0 : i32
        scf.yield %scan3A_404 : i32
      }
      %scan3A_154 = arith.constant 32 : i32
      %dma_wait3A_155 = arith.constant 0 : i32
      %dma_wait3A_156 = arith.constant 0 : i32
      %dma_wait3A_157 = tpu.memref_slice %arg17[%dma_wait3A_155, %dma_wait3A_156] : memref<10112x128xf32, #tpu.memory_space<vmem_shared>> -> memref<10112x128xf32, #tpu.memory_space<vmem_shared>>
      tpu.wait_indirect_dma semaphore(%arg20 : memref<!tpu.dma_semaphore, #tpu.memory_space<semaphore_mem>>) src(%arg15 : memref<64x128xf32, #tpu.memory_space<vmem>>) dst(%dma_wait3A_157 : memref<10112x128xf32, #tpu.memory_space<vmem_shared>>)
      %add3A_158 = arith.constant 2 : i32
      %add3A_159 = arith.addi %mul3A_84, %add3A_158 : i32
      %lt3A = arith.constant 160 : i32
      %lt3A_160 = arith.cmpi slt, %add3A_159, %lt3A : i32
      %convert_element_type3A = arith.extui %lt3A_160 : i1 to i32
      %cond3A = arith.constant 0 : i32
      %cond3A_161 = arith.cmpi ne, %convert_element_type3A, %cond3A : i32
      scf.if %cond3A_161 {
        %add3A_216 = arith.constant 2 : i32
        %add3A_217 = arith.addi %mul3A_84, %add3A_216 : i32
        %mul3A_218 = arith.constant 32 : i32
        %mul3A_219 = arith.muli %add3A_217, %mul3A_218 : i32
        %add3A_220 = arith.constant 0 : i32
        %add3A_221 = arith.addi %mul3A_219, %add3A_220 : i32
        %get3A_222 = arith.index_cast %add3A_221 : i32 to index
        %get3A_223 = tpu.vector_load %arg8[%get3A_222] {strides = array<i32>} : memref<5120xi32, #tpu.memory_space<vmem>>, vector<16xi32>,
        %and3A_224 = arith.constant 65535 : i32
        %and3A_225 = vector.broadcast %and3A_224 : i32 to vector<16xi32>
        %and3A_226 = arith.andi %get3A_223, %and3A_225 : vector<16xi32>
        %add3A_227 = vector.broadcast %mul3A_4 : i32 to vector<16xi32>
        %add3A_228 = arith.addi %and3A_226, %add3A_227 : vector<16xi32>
        %shift_right_logical3A_229 = arith.constant 16 : i32
        %shift_right_logical3A_230 = vector.broadcast %shift_right_logical3A_229 : i32 to vector<16xi32>
        %shift_right_logical3A_231 = arith.shrui %get3A_223, %shift_right_logical3A_230 : vector<16xi32>
        %add3A_232 = vector.broadcast %mul3A_4 : i32 to vector<16xi32>
        %add3A_233 = arith.addi %shift_right_logical3A_231, %add3A_232 : vector<16xi32>
        %swap3A_234 = arith.constant 0 : index
        %swap3A_235 = tpu.vector_load %arg11[%swap3A_234] {strides = array<i32>} : memref<64xi32, #tpu.memory_space<vmem>>, vector<16xi32>,
        tpu.vector_store %arg11[%swap3A_234], %add3A_228 {strides = array<i32>} : memref<64xi32, #tpu.memory_space<vmem>>, vector<16xi32>,
        %swap3A_236 = arith.constant 16 : index
        %swap3A_237 = tpu.vector_load %arg11[%swap3A_236] {strides = array<i32>} : memref<64xi32, #tpu.memory_space<vmem>>, vector<16xi32>,
        tpu.vector_store %arg11[%swap3A_236], %add3A_233 {strides = array<i32>} : memref<64xi32, #tpu.memory_space<vmem>>, vector<16xi32>,
        %mul3A_238 = arith.constant 32 : i32
        %mul3A_239 = arith.muli %add3A_217, %mul3A_238 : i32
        %add3A_240 = arith.constant 16 : i32
        %add3A_241 = arith.addi %mul3A_239, %add3A_240 : i32
        %get3A_242 = arith.index_cast %add3A_241 : i32 to index
        %get3A_243 = tpu.vector_load %arg8[%get3A_242] {strides = array<i32>} : memref<5120xi32, #tpu.memory_space<vmem>>, vector<16xi32>,
        %and3A_244 = arith.constant 65535 : i32
        %and3A_245 = vector.broadcast %and3A_244 : i32 to vector<16xi32>
        %and3A_246 = arith.andi %get3A_243, %and3A_245 : vector<16xi32>
        %add3A_247 = vector.broadcast %mul3A_4 : i32 to vector<16xi32>
        %add3A_248 = arith.addi %and3A_246, %add3A_247 : vector<16xi32>
        %shift_right_logical3A_249 = arith.constant 16 : i32
        %shift_right_logical3A_250 = vector.broadcast %shift_right_logical3A_249 : i32 to vector<16xi32>
        %shift_right_logical3A_251 = arith.shrui %get3A_243, %shift_right_logical3A_250 : vector<16xi32>
        %add3A_252 = vector.broadcast %mul3A_4 : i32 to vector<16xi32>
        %add3A_253 = arith.addi %shift_right_logical3A_251, %add3A_252 : vector<16xi32>
        %swap3A_254 = arith.constant 32 : index
        %swap3A_255 = tpu.vector_load %arg11[%swap3A_254] {strides = array<i32>} : memref<64xi32, #tpu.memory_space<vmem>>, vector<16xi32>,
        tpu.vector_store %arg11[%swap3A_254], %add3A_248 {strides = array<i32>} : memref<64xi32, #tpu.memory_space<vmem>>, vector<16xi32>,
        %swap3A_256 = arith.constant 48 : index
        %swap3A_257 = tpu.vector_load %arg11[%swap3A_256] {strides = array<i32>} : memref<64xi32, #tpu.memory_space<vmem>>, vector<16xi32>,
        tpu.vector_store %arg11[%swap3A_256], %add3A_253 {strides = array<i32>} : memref<64xi32, #tpu.memory_space<vmem>>, vector<16xi32>,
        %dma_start3A_258 = arith.constant 0 : i32
        %dma_start3A_259 = arith.constant 0 : i32
        %dma_start3A_260 = tpu.memref_slice %arg2[%dma_start3A_258, %dma_start3A_259] : memref<20000x128xf32, #tpu.memory_space<hbm>> -> memref<20000x128xf32, #tpu.memory_space<hbm>>
        tpu.enqueue_indirect_dma source(%dma_start3A_260 : memref<20000x128xf32, #tpu.memory_space<hbm>>) target(%arg15 : memref<64x128xf32, #tpu.memory_space<vmem>>) offsets(%arg11 : memref<64xi32, #tpu.memory_space<vmem>>) semaphore(%arg18 : memref<!tpu.dma_semaphore, #tpu.memory_space<semaphore_mem>>)
      } else {
      }
      %mul3A_162 = arith.constant 32 : i32
      %mul3A_163 = arith.muli %add3A_88, %mul3A_162 : i32
      %add3A_164 = arith.constant 0 : i32
      %add3A_165 = arith.addi %mul3A_163, %add3A_164 : i32
      %get3A_166 = arith.index_cast %add3A_165 : i32 to index
      %get3A_167 = tpu.vector_load %arg9[%get3A_166] {strides = array<i32>} : memref<5120xi32, #tpu.memory_space<vmem>>, vector<16xi32>,
      %and3A_168 = arith.constant 65535 : i32
      %and3A_169 = vector.broadcast %and3A_168 : i32 to vector<16xi32>
      %and3A_170 = arith.andi %get3A_167, %and3A_169 : vector<16xi32>
      %add3A_171 = vector.broadcast %scan3A : i32 to vector<16xi32>
      %add3A_172 = arith.addi %and3A_170, %add3A_171 : vector<16xi32>
      %shift_right_logical3A_173 = arith.constant 16 : i32
      %shift_right_logical3A_174 = vector.broadcast %shift_right_logical3A_173 : i32 to vector<16xi32>
      %shift_right_logical3A_175 = arith.shrui %get3A_167, %shift_right_logical3A_174 : vector<16xi32>
      %add3A_176 = vector.broadcast %scan3A : i32 to vector<16xi32>
      %add3A_177 = arith.addi %shift_right_logical3A_175, %add3A_176 : vector<16xi32>
      %swap3A_178 = arith.constant 0 : index
      %swap3A_179 = tpu.vector_load %arg14[%swap3A_178] {strides = array<i32>} : memref<64xi32, #tpu.memory_space<vmem>>, vector<16xi32>,
      tpu.vector_store %arg14[%swap3A_178], %add3A_172 {strides = array<i32>} : memref<64xi32, #tpu.memory_space<vmem>>, vector<16xi32>,
      %swap3A_180 = arith.constant 16 : index
      %swap3A_181 = tpu.vector_load %arg14[%swap3A_180] {strides = array<i32>} : memref<64xi32, #tpu.memory_space<vmem>>, vector<16xi32>,
      tpu.vector_store %arg14[%swap3A_180], %add3A_177 {strides = array<i32>} : memref<64xi32, #tpu.memory_space<vmem>>, vector<16xi32>,
      %mul3A_182 = arith.constant 32 : i32
      %mul3A_183 = arith.muli %add3A_88, %mul3A_182 : i32
      %add3A_184 = arith.constant 16 : i32
      %add3A_185 = arith.addi %mul3A_183, %add3A_184 : i32
      %get3A_186 = arith.index_cast %add3A_185 : i32 to index
      %get3A_187 = tpu.vector_load %arg9[%get3A_186] {strides = array<i32>} : memref<5120xi32, #tpu.memory_space<vmem>>, vector<16xi32>,
      %and3A_188 = arith.constant 65535 : i32
      %and3A_189 = vector.broadcast %and3A_188 : i32 to vector<16xi32>
      %and3A_190 = arith.andi %get3A_187, %and3A_189 : vector<16xi32>
      %add3A_191 = vector.broadcast %scan3A : i32 to vector<16xi32>
      %add3A_192 = arith.addi %and3A_190, %add3A_191 : vector<16xi32>
      %shift_right_logical3A_193 = arith.constant 16 : i32
      %shift_right_logical3A_194 = vector.broadcast %shift_right_logical3A_193 : i32 to vector<16xi32>
      %shift_right_logical3A_195 = arith.shrui %get3A_187, %shift_right_logical3A_194 : vector<16xi32>
      %add3A_196 = vector.broadcast %scan3A : i32 to vector<16xi32>
      %add3A_197 = arith.addi %shift_right_logical3A_195, %add3A_196 : vector<16xi32>
      %swap3A_198 = arith.constant 32 : index
      %swap3A_199 = tpu.vector_load %arg14[%swap3A_198] {strides = array<i32>} : memref<64xi32, #tpu.memory_space<vmem>>, vector<16xi32>,
      tpu.vector_store %arg14[%swap3A_198], %add3A_192 {strides = array<i32>} : memref<64xi32, #tpu.memory_space<vmem>>, vector<16xi32>,
      %swap3A_200 = arith.constant 48 : index
      %swap3A_201 = tpu.vector_load %arg14[%swap3A_200] {strides = array<i32>} : memref<64xi32, #tpu.memory_space<vmem>>, vector<16xi32>,
      tpu.vector_store %arg14[%swap3A_200], %add3A_197 {strides = array<i32>} : memref<64xi32, #tpu.memory_space<vmem>>, vector<16xi32>,
      %dma_start3A_202 = arith.constant 0 : i32
      %dma_start3A_203 = arith.constant 0 : i32
      %dma_start3A_204 = tpu.memref_slice %arg17[%dma_start3A_202, %dma_start3A_203] : memref<10112x128xf32, #tpu.memory_space<vmem_shared>> -> memref<10112x128xf32, #tpu.memory_space<vmem_shared>>
      tpu.enqueue_indirect_dma source(%arg16 : memref<64x128xf32, #tpu.memory_space<vmem>>) target(%dma_start3A_204 : memref<10112x128xf32, #tpu.memory_space<vmem_shared>>) offsets(%arg14 : memref<64xi32, #tpu.memory_space<vmem>>) semaphore(%arg21 : memref<!tpu.dma_semaphore, #tpu.memory_space<semaphore_mem>>) {add = true}
      %dma_wait3A_205 = arith.constant 0 : i32
      %dma_wait3A_206 = arith.constant 0 : i32
      %dma_wait3A_207 = tpu.memref_slice %arg17[%dma_wait3A_205, %dma_wait3A_206] : memref<10112x128xf32, #tpu.memory_space<vmem_shared>> -> memref<10112x128xf32, #tpu.memory_space<vmem_shared>>
      tpu.wait_indirect_dma semaphore(%arg21 : memref<!tpu.dma_semaphore, #tpu.memory_space<semaphore_mem>>) src(%arg16 : memref<64x128xf32, #tpu.memory_space<vmem>>) dst(%dma_wait3A_207 : memref<10112x128xf32, #tpu.memory_space<vmem_shared>>)
      %add3A_208 = arith.constant 2 : i32
      %add3A_209 = arith.addi %add3A_88, %add3A_208 : i32
      %lt3A_210 = arith.constant 160 : i32
      %lt3A_211 = arith.cmpi slt, %add3A_209, %lt3A_210 : i32
      %convert_element_type3A_212 = arith.extui %lt3A_211 : i1 to i32
      %cond3A_213 = arith.constant 0 : i32
      %cond3A_214 = arith.cmpi ne, %convert_element_type3A_212, %cond3A_213 : i32
      scf.if %cond3A_214 {
        %add3A_216 = arith.constant 2 : i32
        %add3A_217 = arith.addi %add3A_88, %add3A_216 : i32
        %mul3A_218 = arith.constant 32 : i32
        %mul3A_219 = arith.muli %add3A_217, %mul3A_218 : i32
        %add3A_220 = arith.constant 0 : i32
        %add3A_221 = arith.addi %mul3A_219, %add3A_220 : i32
        %get3A_222 = arith.index_cast %add3A_221 : i32 to index
        %get3A_223 = tpu.vector_load %arg8[%get3A_222] {strides = array<i32>} : memref<5120xi32, #tpu.memory_space<vmem>>, vector<16xi32>,
        %and3A_224 = arith.constant 65535 : i32
        %and3A_225 = vector.broadcast %and3A_224 : i32 to vector<16xi32>
        %and3A_226 = arith.andi %get3A_223, %and3A_225 : vector<16xi32>
        %add3A_227 = vector.broadcast %mul3A_4 : i32 to vector<16xi32>
        %add3A_228 = arith.addi %and3A_226, %add3A_227 : vector<16xi32>
        %shift_right_logical3A_229 = arith.constant 16 : i32
        %shift_right_logical3A_230 = vector.broadcast %shift_right_logical3A_229 : i32 to vector<16xi32>
        %shift_right_logical3A_231 = arith.shrui %get3A_223, %shift_right_logical3A_230 : vector<16xi32>
        %add3A_232 = vector.broadcast %mul3A_4 : i32 to vector<16xi32>
        %add3A_233 = arith.addi %shift_right_logical3A_231, %add3A_232 : vector<16xi32>
        %swap3A_234 = arith.constant 0 : index
        %swap3A_235 = tpu.vector_load %arg12[%swap3A_234] {strides = array<i32>} : memref<64xi32, #tpu.memory_space<vmem>>, vector<16xi32>,
        tpu.vector_store %arg12[%swap3A_234], %add3A_228 {strides = array<i32>} : memref<64xi32, #tpu.memory_space<vmem>>, vector<16xi32>,
        %swap3A_236 = arith.constant 16 : index
        %swap3A_237 = tpu.vector_load %arg12[%swap3A_236] {strides = array<i32>} : memref<64xi32, #tpu.memory_space<vmem>>, vector<16xi32>,
        tpu.vector_store %arg12[%swap3A_236], %add3A_233 {strides = array<i32>} : memref<64xi32, #tpu.memory_space<vmem>>, vector<16xi32>,
        %mul3A_238 = arith.constant 32 : i32
        %mul3A_239 = arith.muli %add3A_217, %mul3A_238 : i32
        %add3A_240 = arith.constant 16 : i32
        %add3A_241 = arith.addi %mul3A_239, %add3A_240 : i32
        %get3A_242 = arith.index_cast %add3A_241 : i32 to index
        %get3A_243 = tpu.vector_load %arg8[%get3A_242] {strides = array<i32>} : memref<5120xi32, #tpu.memory_space<vmem>>, vector<16xi32>,
        %and3A_244 = arith.constant 65535 : i32
        %and3A_245 = vector.broadcast %and3A_244 : i32 to vector<16xi32>
        %and3A_246 = arith.andi %get3A_243, %and3A_245 : vector<16xi32>
        %add3A_247 = vector.broadcast %mul3A_4 : i32 to vector<16xi32>
        %add3A_248 = arith.addi %and3A_246, %add3A_247 : vector<16xi32>
        %shift_right_logical3A_249 = arith.constant 16 : i32
        %shift_right_logical3A_250 = vector.broadcast %shift_right_logical3A_249 : i32 to vector<16xi32>
        %shift_right_logical3A_251 = arith.shrui %get3A_243, %shift_right_logical3A_250 : vector<16xi32>
        %add3A_252 = vector.broadcast %mul3A_4 : i32 to vector<16xi32>
        %add3A_253 = arith.addi %shift_right_logical3A_251, %add3A_252 : vector<16xi32>
        %swap3A_254 = arith.constant 32 : index
        %swap3A_255 = tpu.vector_load %arg12[%swap3A_254] {strides = array<i32>} : memref<64xi32, #tpu.memory_space<vmem>>, vector<16xi32>,
        tpu.vector_store %arg12[%swap3A_254], %add3A_248 {strides = array<i32>} : memref<64xi32, #tpu.memory_space<vmem>>, vector<16xi32>,
        %swap3A_256 = arith.constant 48 : index
        %swap3A_257 = tpu.vector_load %arg12[%swap3A_256] {strides = array<i32>} : memref<64xi32, #tpu.memory_space<vmem>>, vector<16xi32>,
        tpu.vector_store %arg12[%swap3A_256], %add3A_253 {strides = array<i32>} : memref<64xi32, #tpu.memory_space<vmem>>, vector<16xi32>,
        %dma_start3A_258 = arith.constant 0 : i32
        %dma_start3A_259 = arith.constant 0 : i32
        %dma_start3A_260 = tpu.memref_slice %arg2[%dma_start3A_258, %dma_start3A_259] : memref<20000x128xf32, #tpu.memory_space<hbm>> -> memref<20000x128xf32, #tpu.memory_space<hbm>>
        tpu.enqueue_indirect_dma source(%dma_start3A_260 : memref<20000x128xf32, #tpu.memory_space<hbm>>) target(%arg16 : memref<64x128xf32, #tpu.memory_space<vmem>>) offsets(%arg12 : memref<64xi32, #tpu.memory_space<vmem>>) semaphore(%arg19 : memref<!tpu.dma_semaphore, #tpu.memory_space<semaphore_mem>>)
      } else {
      }
      %scan3A_215 = arith.constant 0 : i32
      scf.yield %scan3A_215 : i32
    }
    %scan3A_75 = arith.constant 80 : i32
    %barrier3A_76 = arith.constant 0 : index
    tpu.barrier barrier_id(%barrier3A_76)
    %mul3A_77 = arith.constant 632 : i32
    %mul3A_78 = arith.muli %arg1, %mul3A_77 : i32
    %mul3A_79 = arith.constant 632 : i32
    %mul3A_80 = arith.muli %arg1, %mul3A_79 : i32
    "tpu.region"() ({
      %run_scoped3A = tpu.sem_alloc : memref<!tpu.dma_semaphore, #tpu.memory_space<semaphore_mem>>
      %dma_start3A_81 = arith.constant 0 : i32
      %dma_start3A_82 = arith.constant 0 : i32
      %dma_start3A_83 = tpu.memref_slice %arg7[%arg0, %dma_start3A_81, %dma_start3A_82] : memref<2x10112x128xf32, #tpu.memory_space<hbm>> -> memref<1x10112x128xf32, #tpu.memory_space<hbm>>
      %dma_start3A_84 = tpu.memref_squeeze %dma_start3A_83 : memref<1x10112x128xf32, #tpu.memory_space<hbm>> -> memref<10112x128xf32, #tpu.memory_space<hbm>>
      %dma_start3A_85 = arith.constant 0 : i32
      %dma_start3A_86 = tpu.memref_slice %dma_start3A_84[%mul3A_80, %dma_start3A_85] : memref<10112x128xf32, #tpu.memory_space<hbm>> -> memref<632x128xf32, #tpu.memory_space<hbm>>
      %dma_start3A_87 = arith.constant 0 : i32
      %dma_start3A_88 = tpu.memref_slice %arg17[%mul3A_78, %dma_start3A_87] : memref<10112x128xf32, #tpu.memory_space<vmem_shared>> -> memref<632x128xf32, #tpu.memory_space<vmem_shared>>
      tpu.enqueue_dma source(%dma_start3A_88 : memref<632x128xf32, #tpu.memory_space<vmem_shared>>) target(%dma_start3A_86 : memref<632x128xf32, #tpu.memory_space<hbm>>) target_semaphore(%run_scoped3A : memref<!tpu.dma_semaphore, #tpu.memory_space<semaphore_mem>>)
      %dma_wait3A = arith.constant 0 : i32
      %dma_wait3A_89 = arith.constant 0 : i32
      %dma_wait3A_90 = tpu.memref_slice %arg7[%arg0, %dma_wait3A, %dma_wait3A_89] : memref<2x10112x128xf32, #tpu.memory_space<hbm>> -> memref<1x10112x128xf32, #tpu.memory_space<hbm>>
      %dma_wait3A_91 = tpu.memref_squeeze %dma_wait3A_90 : memref<1x10112x128xf32, #tpu.memory_space<hbm>> -> memref<10112x128xf32, #tpu.memory_space<hbm>>
      %dma_wait3A_92 = arith.constant 0 : i32
      %dma_wait3A_93 = tpu.memref_slice %dma_wait3A_91[%mul3A_80, %dma_wait3A_92] : memref<10112x128xf32, #tpu.memory_space<hbm>> -> memref<632x128xf32, #tpu.memory_space<hbm>>
      %dma_wait3A_94 = arith.constant 0 : i32
      %dma_wait3A_95 = tpu.memref_slice %arg17[%mul3A_78, %dma_wait3A_94] : memref<10112x128xf32, #tpu.memory_space<vmem_shared>> -> memref<632x128xf32, #tpu.memory_space<vmem_shared>>
      tpu.wait_dma2 semaphore(%run_scoped3A : memref<!tpu.dma_semaphore, #tpu.memory_space<semaphore_mem>>) src(%dma_wait3A_95 : memref<632x128xf32, #tpu.memory_space<vmem_shared>>) dst(%dma_wait3A_93 : memref<632x128xf32, #tpu.memory_space<hbm>>)
      tpu.yield
    }) : () -> ()
    return
  }
}

module attributes {stable_mosaic.version = 14 : i64} {
  func.func @_k1_body(%arg0: memref<80x128x256xf32, #tpu.memory_space<vmem>>, %arg1: memref<1x256xf32, #tpu.memory_space<vmem>>, %arg2: memref<80x128xf32, #tpu.memory_space<vmem>>) attributes {dimension_semantics = [], scalar_prefetch = 0 : i64, scratch_operands = 0 : i64, tpu.core_type = #tpu.core_type<tc>} {
    %get3A = arith.constant 0 : index
    %get3A_0 = arith.constant 0 : index
    %get3A_1 = arith.constant 0 : index
    %get3A_2 = vector.load %arg0[%get3A, %get3A_0, %get3A_1] : memref<80x128x256xf32, #tpu.memory_space<vmem>>, vector<80x128x256xf32>
    %get3A_3 = arith.constant 0 : index
    %get3A_4 = arith.constant 0 : index
    %get3A_5 = vector.load %arg1[%get3A_3, %get3A_4] : memref<1x256xf32, #tpu.memory_space<vmem>>, vector<1x256xf32>
    %squeeze3A = vector.shape_cast %get3A_5 : vector<1x256xf32> to vector<256xf32>
    %broadcast_in_dim3A = vector.shape_cast %squeeze3A : vector<256xf32> to vector<1x1x256xf32>
    %mul3A = vector.broadcast %broadcast_in_dim3A : vector<1x1x256xf32> to vector<80x128x256xf32>
    %mul3A_6 = arith.mulf %get3A_2, %mul3A : vector<80x128x256xf32>
    %reduce_sum3A = arith.constant dense<0.000000e+00> : vector<80x128xf32>
    %reduce_sum3A_7 = vector.multi_reduction <add>, %mul3A_6, %reduce_sum3A [2] : vector<80x128x256xf32> to vector<80x128xf32>
    %reduce_max3A = vector.shape_cast %reduce_sum3A_7 : vector<80x128xf32> to vector<1x80x128xf32>
    %reduce_max3A_8 = arith.constant dense<0xFF800000> : vector<1xf32>
    %reduce_max3A_9 = vector.multi_reduction <maximumf>, %reduce_max3A, %reduce_max3A_8 [1, 2] : vector<1x80x128xf32> to vector<1xf32>
    %reduce_max3A_10 = vector.shape_cast %reduce_max3A_9 : vector<1xf32> to vector<1x1x1xf32>
    %reduce_max3A_11 = vector.extract %reduce_max3A_10[0, 0, 0] : f32 from vector<1x1x1xf32>
    %sub3A = vector.broadcast %reduce_max3A_11 : f32 to vector<80x128xf32>
    %sub3A_12 = arith.subf %reduce_sum3A_7, %sub3A : vector<80x128xf32>
    %swap3A = arith.constant 0 : index
    %swap3A_13 = arith.constant 0 : index
    %swap3A_14 = vector.load %arg2[%swap3A, %swap3A_13] : memref<80x128xf32, #tpu.memory_space<vmem>>, vector<80x128xf32>
    tpu.vector_store %arg2[%swap3A, %swap3A_13], %sub3A_12 {strides = array<i32>} : memref<80x128xf32, #tpu.memory_space<vmem>>, vector<80x128xf32>,
    return
  }
}

</mosaic_0001>

<sc_bundles>
// kernel: kernel.5.cloned.1.call-start
scs
__scs_entry_jumppad:
0x0: {  	(pc) =	sbr.rel $0x88, $3  }
0x1: {  	(tag) =	ssettag $0x0;
	lr =	simm.s32 $0x1  }
0x2: {  	[smem:$0x3F9E] =	sst lr;
	_ =	strace $0xD0000000  }
0x3: {  	_ = 	snop  }
0x4: {  	_ = 	snop  }
0x5: {  	_ = 	snop  }
0x6: {  	_ = 	snop  }
0x7: {  	_ = 	snop  }
__scs_overlays_trampoline_lowered:
0x8: {  	[smem:$0x3FAD] =	sst s0  }
0x9: {  	[smem:$0x3FAE] =	sst s1  }
0xa: {  	[smem:$0x3FAF] =	sst s2  }
0xb: {  	[smem:$0x3FB0] =	sst s3  }
0xc: {  	[smem:$0x3FB1] =	sst s4  }
0xd: {  	[smem:$0x3FB2] =	sst s5  }
0xe: {  	[smem:$0x3FB3] =	sst s6  }
0xf: {  	[smem:$0x3FB4] =	sst s7  }
0x10: {  	[smem:$0x3FB5] =	sst s8  }
0x11: {  	[smem:$0x3FB6] =	sst s9;
	s0 =	simm.s32 @!p0 $0x0  }
0x12: {  	s1 =	sld [smem:$0x3F9C];
	s0 =	simm.s32 @p0 $0x1  }
0x13: {  	[smem:$0x3FB7] =	sst s0;
	s0 =	simm.s32 @!p1 $0x0  }
0x14: {  	s2 =	sld [smem:$0x3F9B];
	s0 =	simm.s32 @p1 $0x1  }
0x15: {  	[smem:$0x3FB8] =	sst s0;
	s0 =	simm.s32 @!p2 $0x0  }
0x16: {  	s3 =	sld [smem:$0x3FDB];
	s0 =	simm.s32 @p2 $0x1  }
0x17: {  	s4 =	simm.s32 $0x1BF5;
	[smem:$0x3FBA] =	sst s0  }
0x18: {  	s0 =	sld [smem:$0x3F9D];
	_ =	swait.ge [sflag:s4], $0x0  }
0x19: {  	s7 =	sld [smem:$0x3F9E]  }
0x1a: {  	s8 =	sadd.s32 $0xFFFFE003, lr  }
0x1b: {  	s9 =	sadd.s32 $0xFFFFFEF7, lr;
	s5 =	simm.s32 $0xFFFFFFFF;
	p2 =	slt.u32 s8, $0xFFFFF086  }
0x1c: {  	p1 =	slt.u32 s9, $0xF7A;
	s5 =	simm.s32 @!p2 $0x0  }
0x1d: {  	s5 =	simm.s32 @p1 $0x1;
	p0 =	seq.s32 s7, s2  }
0x1e: {  	s7 =	smul.u32 @!p0 $0xF7A, s2;
	p2 =	seq.s32 @!p0 s5, $0x0  }
0x1f: {  	s9 =	smul.u32 $0xF7A, s1;
	s8 =	simm.s32 @!p0 $0x1BF5;
	p2 =	por !p2, p0  }
0x20: {  	[sflag:s8] =	ssyncset.s32 @!p0 $0xFFFFF086;
	s6 =	sadd.s32 @!p0 s3, s7;
	s7 =	simm.s32 @!p0 $0x108  }
0x21: {  	s3 =	sadd.s32 s3, s9;
	s6 =	sadd.s32 @!p0 $0x88, s6;
	s7 =	simm.s32 @p2 $0x1082  }
0x22: {  	[simem:s7], [sflag:s8] =	dma.local @!p0 [hbm:s6], $0xF7A  }
0x23: {  	s9 =	sor.u32 $0xD0000000, s2;
	s6 =	simm.s32 $0x108;
	_ =	swait.ge @!p0 [sflag:s8], $0x0  }
0x24: {  	s3 =	sadd.s32 $0x88, s3;
	s6 =	simm.s32 @!p1 $0x1082;
	[sflag:s4] =	ssyncset.s32 $0xFFFFF086  }
0x25: {  	[simem:s6], [sflag:s4] =	dma.local [hbm:s3], $0xF7A  }
0x26: {  	[smem:$0x3F9E] =	sst s1;
	(tag) =	ssettag s2;
	_ =	strace s9  }
0x27: {  	s1 =	sld [smem:$0x3FAE]  }
0x28: {  	s2 =	sld [smem:$0x3FAF]  }
0x29: {  	s4 =	sld [smem:$0x3FB1]  }
0x2a: {  	p0 =	seq.s32 s5, $0x0;
	s5 =	sld [smem:$0x3FB2]  }
0x2b: {  	s6 =	sld [smem:$0x3FB3]  }
0x2c: {  	s7 =	sld [smem:$0x3FB4]  }
0x2d: {  	s3 =	simm.s32 $0x108;
	s8 =	sld [smem:$0x3FB5]  }
0x2e: {  	s3 =	simm.s32 @!p0 $0x1082;
	s9 =	sld [smem:$0x3FB6]  }
0x2f: {  	lr =	sadd.s32 s0, s3;
	s0 =	sld [smem:$0x3FAD]  }
0x30: {  	s3 =	sld [smem:$0x3FB0]  }
0x31: {  	[smem:$0x3FB9] =	sst s10  }
0x32: {  	s10 =	sld [smem:$0x3FB7];
	_ =	sdelay $0x3  }
0x33: {  	p0 =	seq.s32 s10, $0x1;
	s10 =	sld [smem:$0x3FB9];
	_ =	sdelay $0x3  }
0x34: {  	[smem:$0x3FB9] =	sst s10  }
0x35: {  	s10 =	sld [smem:$0x3FB8];
	_ =	sdelay $0x3  }
0x36: {  	p1 =	seq.s32 s10, $0x1;
	s10 =	sld [smem:$0x3FB9];
	_ =	sdelay $0x3  }
0x37: {  	[smem:$0x3FB9] =	sst s10  }
0x38: {  	s10 =	sld [smem:$0x3FBA]  }
0x39: {  	_ = 	snop;
	(pc) =	sbr.ind lr, $3  }
0x3a: {  	_ = 	snop  }
0x3b: {  	_ = 	snop  }
0x3c: {  	p2 =	seq.s32 s10, $0x1;
	s10 =	sld [smem:$0x3FB9]  }
0x3d: {  	_ =	shalt  }
0x3e: {  	_ =	shalt  }
0x3f: {  	_ =	shalt  }
0x40: {  	_ =	shalt  }
0x41: {  	_ =	shalt  }
0x42: {  	_ =	shalt  }
0x43: {  	_ =	shalt  }
0x44: {  	_ =	shalt  }
0x45: {  	_ =	shalt  }
0x46: {  	_ =	shalt  }
0x47: {  	_ =	shalt  }
0x48: {  	_ =	shalt  }
0x49: {  	_ =	shalt  }
0x4a: {  	_ =	shalt  }
0x4b: {  	_ =	shalt  }
0x4c: {  	_ =	shalt  }
0x4d: {  	_ =	shalt  }
0x4e: {  	_ =	shalt  }
0x4f: {  	_ =	shalt  }
0x50: {  	_ =	shalt  }
0x51: {  	_ =	shalt  }
0x52: {  	_ =	shalt  }
0x53: {  	_ =	shalt  }
0x54: {  	_ =	shalt  }
0x55: {  	_ =	shalt  }
0x56: {  	_ =	shalt  }
0x57: {  	_ =	shalt  }
0x58: {  	_ =	shalt  }
0x59: {  	_ =	shalt  }
0x5a: {  	_ =	shalt  }
0x5b: {  	_ =	shalt  }
0x5c: {  	_ =	shalt  }
0x5d: {  	_ =	shalt  }
0x5e: {  	_ =	shalt  }
0x5f: {  	_ =	shalt  }
0x60: {  	_ =	shalt  }
0x61: {  	_ =	shalt  }
0x62: {  	_ =	shalt  }
0x63: {  	_ =	shalt  }
0x64: {  	_ =	shalt  }
0x65: {  	_ =	shalt  }
0x66: {  	_ =	shalt  }
0x67: {  	_ =	shalt  }
0x68: {  	_ =	shalt  }
0x69: {  	_ =	shalt  }
0x6a: {  	_ =	shalt  }
0x6b: {  	_ =	shalt  }
0x6c: {  	_ =	shalt  }
0x6d: {  	_ =	shalt  }
0x6e: {  	_ =	shalt  }
0x6f: {  	_ =	shalt  }
0x70: {  	_ =	shalt  }
0x71: {  	_ =	shalt  }
0x72: {  	_ =	shalt  }
0x73: {  	_ =	shalt  }
0x74: {  	_ =	shalt  }
0x75: {  	_ =	shalt  }
0x76: {  	_ =	shalt  }
0x77: {  	_ =	shalt  }
0x78: {  	_ =	shalt  }
0x79: {  	_ =	shalt  }
0x7a: {  	_ =	shalt  }
0x7b: {  	_ =	shalt  }
0x7c: {  	_ =	shalt  }
0x7d: {  	_ =	shalt  }
0x7e: {  	_ =	shalt  }
0x7f: {  	_ =	shalt  }
0x80: {  	_ =	shalt  }
0x81: {  	_ =	shalt  }
0x82: {  	_ =	shalt  }
0x83: {  	_ =	shalt  }
0x84: {  	_ =	shalt  }
0x85: {  	_ =	shalt  }
0x86: {  	_ =	shalt  }
0x87: {  	_ =	shalt  }
.Lfunc_end0:
.L_simem_size_0:
called_computation_lowered:
.L_overlay_start_0:
0x88: {  	s2 =	sld [smem:$0x3FD9]  }
0x89: {  	s3 =	sld [smem:$0x3FFE];
	_ =	sdelay $0x1  }
0x8a: {  	s1 =	srdreg.scid  }
0x8b: {  	s0 =	sand.u32 $0x1, s1  }
0x8c: {  	s16 =	sshll.u32 s0, $0xA;
	s2 =	sadd.s32 s3, s2  }
0x8d: {  	s2 =	sadd.s32 s2, s16  }
0x8e: {  	[smem:$0x3FC5] =	sst s2  }
0x8f: {  	_ = 	snop  }
0x90: {  	(tm) =	ssettm $0x1  }
0x91: {  	s17 =	sld [smem:$0x3FFB];
	_ =	sdelay $0x3  }
0x92: {  	_ =	strace s17  }
0x93: {  	s2 =	sld [smem:$0x3FFC];
	_ =	sdelay $0x3  }
0x94: {  	_ =	strace s2  }
0x95: {  	s2 =	sld [smem:$0x3FFD];
	_ =	sdelay $0x3  }
0x96: {  	_ =	strace s2  }
0x97: {  	_ =	strace $0x8FFFFFFF  }
0x98: {  	s18 =	sld [smem:$0x3FDB];
	_ =	sdelay $0x1  }
0x99: {  	s19 =	simm.s32 $_scs_section_size  }
0x9a: {  	s4 =	simm.s32 $_size__tile_overlayer_lowered;
	s5 =	simm.s32 $_tile_overlayer_lowered  }
0x9b: {  	s22 =	simm.s32 $0x1BFF;
	s21 =	sshll.u32 s5, $0x1;
	s2 =	sadd.s32 s19, s18  }
0x9c: {  	s6 =	simm.s32 $0x0;
	s20 =	sshll.u32 s4, $0x1;
	s4 =	sadd.s32 s21, s2  }
0x9d: {  	[timem:s6], [sflag:s22] =	dma.local [hbm:s4], s20  }
0x9e: {  	_ =	swait.ge [sflag:s22], s20  }
0x9f: {  	s3 =	ssub.s32 $0x0, s20;
	[sflag:s22] =	ssyncset.done $0x0  }
0xa0: {  	[sflag:s22] =	ssyncadd.s32 s3;
	_ =	sdelay $0x1  }
0xa1: {  	s23 =	simm.s32 $0x1B8B  }
0xa2: {  	_ =	swait.ge [sflag:s23], $0x1  }
0xa3: {  	[sflag:s23] =	ssyncset.done $0x0  }
0xa4: {  	s25 =	simm.s32 $0x1B8E;
	s24 =	sld [smem:$0x3FFE];
	[sflag:s23] =	ssyncadd.s32 $0xFFFFFFFF  }
0xa5: {  	s26 =	simm.s32 $execute0_lowered;
	[smem:$0x3FD2] =	sst s25  }
0xa6: {  	s4 =	sshll.u32 s26, $0x1;
	_ =	strace $0x80000046;
	[dreg:$0x1] =	wrdreg $0xFFFFFFFF  }
0xa7: {  	s28 =	simm.s32 $_size_execute0_lowered;
	s2 =	sadd.s32 s2, s4;
	[dreg:$0x0] =	wrdreg $0x0  }
0xa8: {  	s4 =	sshll.u32 s28, $0x1;
	[dreg:$0x2] =	wrdreg s2  }
0xa9: {  	[dreg:$0x3] =	wrdreg s4  }
0xaa: {  	[dreg:$0x4] =	wrdreg $0xC0  }
0xab: {  	_ =	task [dreg:s6], $0x5FFFF  }
0xac: {  	[dreg:$0x1] =	wrdreg $0xFFFFFFFF  }
0xad: {  	[dreg:$0x0] =	wrdreg $0x60  }
0xae: {  	[dreg:$0x2] =	wrdreg s24  }
0xaf: {  	[dreg:$0x3] =	wrdreg $0xD4800  }
0xb0: {  	[dreg:$0x4] =	wrdreg $0x9  }
0xb1: {  	_ =	task.clear_ibuf [dreg:s6], $0x5FFFF;
	_ =	strace $0x90000046  }
0xb2: {  	s29 =	simm.s32 $0x9;
	_ =	strace $0x80000048  }
0xb3: {  	_ =	swait.ge [sflag:s29], $0x1  }
0xb4: {  	[sflag:s29] =	ssyncadd.s32 $0xFFFFFFFF  }
0xb5: {  	_ =	strace $0x90000048  }
0xb6: {  	_ =	sfence  }
0xb7: {  	s30 =	sld [smem:$0x0];
	_ =	sdelay $0x2  }
0xb8: {  	s31 =	sshll.u32 s1, $0xD;
	s1 =	sshrl.u32 s1, $0x2  }
0xb9: {  	s3 =	sand.u32 $0x4000, s31;
	s1 =	sadd.s32 s1, s30  }
0xba: {  	s0 =	sor.u32 s3, s0;
	s1 =	sshll.u32 s1, $0x11  }
0xbb: {  	s0 =	sor.u32 s1, s0  }
0xbc: {  	s0 =	sadd.s32 $0x8F2B, s0  }
0xbd: {  	[sflag:s0] =	ssyncadd.remote.s32 $0x1  }
0xbe: {  	_ =	sfence.sel $0xFFFF  }
0xbf: {  	[dreg:$0x0] =	wrdreg $0xFFFFFFFF;
	(pc) =	sbr.abs _section_cstart, $3  }
0xc0: {  	[dreg:$0x1] =	wrdreg $0xFFFFFFFF  }
0xc1: {  	_ =	task.clear_ibuf [dreg:s6], $0x2FFFF;
	_ =	strace $0x9FFFFFFF  }
0xc2: {  	(tm) =	ssettm $0x7FFFFFFF  }
0xc3: {  	_ =	shalt  }
tec
execute0_lowered:
.L_overlay_start_1:
0x0: {  	(tag) =	ssettag $0x1  }
0x1: {  	s5 =	rddreg [dreg:$0x0]  }
0x2: {  	s2 =	rddreg [dreg:$0x1]  }
0x3: {  	s0 =	rddreg [dreg:$0x2];
	s3 =	simm.s32 $0x0  }
0x4: {  	s1 =	stileid.u32;
	s8 =	srdreg.scid;
	s12 =	simm.s32 $0x400  }
0x5: {  	s13 =	simm.s32 $0x2800;
	s14 =	simm.s32 $0x3C00;
	s15 =	simm.s32 $0xD080  }
0x6: {  	s16 =	simm.s32 $0xA000;
	s17 =	simm.s32 $0x60;
	s18 =	simm.s32 $0xD000  }
0x7: {  	[smem:$0x7FF] =	sst s3;
	s4 =	sshrl.u32 s1, $0x3;
	s29 =	smul.u32 $0x500, s1  }
0x8: {  	s7 =	sshll.u32 s1, $0x7;
	s19 =	sand.u32 $0x1, s8;
	s9 =	smul.u32 $0xC00, s1  }
0x9: {  	_ =	strace $0x80000047;
	s6 =	smul.u32 $0xA000, s4;
	s4 =	sadd.s32 $0x5A00, s5  }
0xa: {  	s7 =	sand.u32 $0x380, s7;
	s8 =	ssub.s32 $0x2, s19;
	p0 =	sne.s32 s19, $0x0  }
0xb: {  	s19 =	simm.s32 $0x0;
	s10 =	sadd.s32 s29, s5;
	s30 =	sshrl.u32 s8, $0x1  }
0xc: {  	s31 =	sshrl.u32 s9, $0x2;
	s6 =	sor.u32 s7, s6;
	s11 =	ssub.s32 s8, s30  }
0xd: {  	v0 =	vlaneseq.u32;
	s7 =	sadd.s32 s31, s2;
	s8 =	sadd.s32 $0x6000, s10;
	s6 =	sshrl.u32 s6, $0x3  }
0xe: {  	v6 =	vimm.f32 $0.0e+00;
	v1 =	vor.u32 $0x10, v0;
	v2 =	vor.u32 $0x20, v0;
	s10 =	simm.s32 $0x1;
	s9 =	smax.u32 s11, $0x1;
	s6 =	sadd.s32 s6, s5  }
0xf: {  	v3 =	vor.u32 $0x30, v0;
	v4 =	vor.u32 $0x40, v0;
	v5 =	vor.u32 $0x50, v0;
	s11 =	simm.s32 $0x80;
	s5 =	sadd.s32 $0xA00, s6;
	s6 =	sadd.s32 $0x3200, s6  }
.LBB2_1:
0x10: {  	[tilespmem:s3], [sflag:$0x1] =	stream.linear.gather [hbm4b:s4+s3], $0x2800, $0x38;
	[tilespmem:$0xD780] =	vst v63  }
0x11: {  	_ =	swait.ge [sflag:s10], $0x2800  }
0x12: {  	[sflag:s10] =	ssyncset.done $0x0  }
0x13: {  	[sflag:s10] =	ssyncadd.s32 $0xFFFFD800  }
0x14: {  	[tilespmem:s13], [sflag:$0x1] =	stream.strided.gather [hbm4b:s5+s11], $0x1400, s12, s11, $0x38;
	[tilespmem:$0xD780] =	vst v63  }
0x15: {  	_ =	swait.ge [sflag:s10], $0x1400  }
0x16: {  	[sflag:s10] =	ssyncset.done $0x0  }
0x17: {  	[sflag:s10] =	ssyncadd.s32 $0xFFFFEC00  }
0x18: {  	[tilespmem:s14], [sflag:$0x1] =	stream.strided.gather [hbm4b:s6+s11], $0x1400, s12, s11, $0x38;
	[tilespmem:$0xD780] =	vst v63  }
0x19: {  	_ =	swait.ge [sflag:s10], $0x1400  }
0x1a: {  	[sflag:s10] =	ssyncset.done $0x0  }
0x1b: {  	[sflag:s10] =	ssyncadd.s32 $0xFFFFEC00  }
0x1c: {  	[tilespmem:$0xD000] =	vst v0  }
0x1d: {  	[tilespmem:$0xD010] =	vst v1  }
0x1e: {  	[tilespmem:$0xD020] =	vst v2  }
0x1f: {  	[tilespmem:$0xD030] =	vst v3  }
0x20: {  	[tilespmem:$0xD040] =	vst v4  }
0x21: {  	[tilespmem:$0xD050] =	vst v5  }
0x22: {  	[tilespmem:$0xD080] =	vst v6  }
0x23: {  	[tilespmem:$0xD090] =	vst v6  }
0x24: {  	[tilespmem:$0xD0A0] =	vst v6  }
0x25: {  	[tilespmem:$0xD0B0] =	vst v6  }
0x26: {  	[tilespmem:$0xD0C0] =	vst v6  }
0x27: {  	[tilespmem:$0xD0D0] =	vst v6  }
0x28: {  	[tilespmem:$0xD0E0] =	vst v6  }
0x29: {  	[tilespmem:$0xD0F0] =	vst v6  }
0x2a: {  	[tilespmem:$0xD100] =	vst v6  }
0x2b: {  	[tilespmem:$0xD110] =	vst v6  }
0x2c: {  	[tilespmem:$0xD120] =	vst v6  }
0x2d: {  	[tilespmem:$0xD130] =	vst v6  }
0x2e: {  	[tilespmem:$0xD140] =	vst v6  }
0x2f: {  	[tilespmem:$0xD150] =	vst v6  }
0x30: {  	[tilespmem:$0xD160] =	vst v6  }
0x31: {  	[tilespmem:$0xD170] =	vst v6  }
0x32: {  	[tilespmem:$0xD180] =	vst v6  }
0x33: {  	[tilespmem:$0xD190] =	vst v6  }
0x34: {  	[tilespmem:$0xD1A0] =	vst v6  }
0x35: {  	[tilespmem:$0xD1B0] =	vst v6  }
0x36: {  	[tilespmem:$0xD1C0] =	vst v6  }
0x37: {  	[tilespmem:$0xD1D0] =	vst v6  }
0x38: {  	[tilespmem:$0xD1E0] =	vst v6  }
0x39: {  	[tilespmem:$0xD1F0] =	vst v6  }
0x3a: {  	[tilespmem:$0xD200] =	vst v6  }
0x3b: {  	[tilespmem:$0xD210] =	vst v6  }
0x3c: {  	[tilespmem:$0xD220] =	vst v6  }
0x3d: {  	[tilespmem:$0xD230] =	vst v6  }
0x3e: {  	[tilespmem:$0xD240] =	vst v6  }
0x3f: {  	[tilespmem:$0xD250] =	vst v6  }
0x40: {  	[tilespmem:$0xD260] =	vst v6  }
0x41: {  	[tilespmem:$0xD270] =	vst v6  }
0x42: {  	[tilespmem:$0xD280] =	vst v6  }
0x43: {  	[tilespmem:$0xD290] =	vst v6  }
0x44: {  	[tilespmem:$0xD2A0] =	vst v6  }
0x45: {  	[tilespmem:$0xD2B0] =	vst v6  }
0x46: {  	[tilespmem:$0xD2C0] =	vst v6  }
0x47: {  	[tilespmem:$0xD2D0] =	vst v6  }
0x48: {  	[tilespmem:$0xD2E0] =	vst v6  }
0x49: {  	[tilespmem:$0xD2F0] =	vst v6  }
0x4a: {  	[tilespmem:$0xD300] =	vst v6  }
0x4b: {  	[tilespmem:$0xD310] =	vst v6  }
0x4c: {  	[tilespmem:$0xD320] =	vst v6  }
0x4d: {  	[tilespmem:$0xD330] =	vst v6  }
0x4e: {  	[tilespmem:$0xD340] =	vst v6  }
0x4f: {  	[tilespmem:$0xD350] =	vst v6  }
0x50: {  	[tilespmem:$0xD360] =	vst v6  }
0x51: {  	[tilespmem:$0xD370] =	vst v6  }
0x52: {  	[spmem:s7] =	stream.linear.scatter [tilespmem:s15], [sflag:$0x1], $0x300, $0x38;
	[tilespmem:$0xD780] =	vst v63  }
0x53: {  	_ =	swait.ge [sflag:s10], $0x300  }
0x54: {  	[sflag:s10] =	ssyncset.done $0x0  }
0x55: {  	s20 =	simm.s32 $0x0;
	s21 =	simm.s32 $0x200;
	[sflag:s10] =	ssyncadd.s32 $0xFFFFFD00  }
.LBB2_2:
0x56: {  	p1 =	sne.s32 s21, $0xBE00;
	[tilespmem:s20+$0xA070] =	vst v6  }
0x57: {  	[tilespmem:s20+$0xA000] =	vst v6  }
0x58: {  	[tilespmem:s20+$0xA010] =	vst v6  }
.Ltmp0:
0x59: {  	[tilespmem:s20+$0xA020] =	vst v6;
	(pc) =	sbr.rel @p1 .LBB2_2-.Ltmp0, $4  }
0x5a: {  	[tilespmem:s20+$0xA030] =	vst v6  }
0x5b: {  	[tilespmem:s20+$0xA040] =	vst v6  }
0x5c: {  	[tilespmem:s20+$0xA050] =	vst v6  }
0x5d: {  	[tilespmem:s20+$0xA060] =	vst v6;
	s20 =	sshra.s32 s21, $0x2;
	s21 =	sadd.s32 $0x200, s21  }
0x5e: {  	[tilespmem:s20+$0xA070] =	vst v6  }
0x5f: {  	[tilespmem:s20+$0xA000] =	vst v6  }
0x60: {  	[tilespmem:s20+$0xA010] =	vst v6  }
0x61: {  	[tilespmem:s20+$0xA020] =	vst v6  }
0x62: {  	[tilespmem:s20+$0xA030] =	vst v6  }
0x63: {  	[tilespmem:s20+$0xA040] =	vst v6  }
0x64: {  	[tilespmem:s20+$0xA050] =	vst v6  }
0x65: {  	[tilespmem:s20+$0xA060] =	vst v6;
	s31 =	simm.s32 $0x0  }
0x66: {  	v7 =	vld [tilespmem:s31+$0x2800];
	_ =	sdelay $0x4  }
0x67: {  	v8 =	vand.u32 $0xFFFF, v7;
	_ =	sdelay $0x4  }
0x68: {  	v8 =	vld.idx.msk [tilespmem:v8+s3+$0x0], $0xffff;
	_ =	sdelay $0x4  }
0x69: {  	v8 =	vmul.f32 $1.442695020e+00, v8;
	_ =	sdelay $0x1  }
0x6a: {  	(erf) = vpow2.f32 v8;
	_ =	sdelay $0x1  }
0x6b: {  	v9 =	vld [tilespmem:s31+$0x3C00];
	_ =	sdelay $0x4  }
0x6c: {  	v8 =	vand.u32 $0xFFFF, v9  }
0x6d: {  	v7 =	vshrl.u32 v7, $0x10  }
0x6e: {  	s21 =	simm.s32 $0x5010;
	v10 =	vpop (erf)  }
0x6f: {  	s20 =	simm.s32 $0x7810;
	[tilespmem:s21+$0xFFFFFFF0] =	vst v10  }
0x70: {  	[tilespmem:s20+$0xFFFFFFF0] =	vst v8  }
0x71: {  	[tilespmem:v8+s16+$0x0] =	vst.idx.add.f32.msk $0xffff, v10  }
0x72: {  	v7 =	vld.idx.msk [tilespmem:v7+s3+$0x0], $0xffff;
	_ =	sdelay $0x4  }
0x73: {  	v7 =	vmul.f32 $1.442695020e+00, v7;
	_ =	sdelay $0x1  }
0x74: {  	(erf) = vpow2.f32 v7;
	_ =	sdelay $0x7  }
0x75: {  	v7 =	vshrl.u32 v9, $0x10  }
0x76: {  	v8 =	vpop (erf)  }
0x77: {  	[tilespmem:s21+$0x0] =	vst v8  }
0x78: {  	s22 =	simm.s32 $0x40;
	s24 =	simm.s32 $0x80;
	s21 =	simm.s32 $0x5030;
	[tilespmem:s20+$0x0] =	vst v7  }
.LBB2_4:
0x79: {  	s25 =	sshra.s32 s22, $0x2  }
0x7a: {  	[tilespmem:v7+s16+$0x0] =	vst.idx.add.f32.msk $0xffff, v8;
	s20 =	sadd.s32 $0x20, s20;
	s22 =	smov.u32 s24;
	s23 =	sadd.s32 $0x40, s24  }
0x7b: {  	p1 =	sne.s32 s24, $0x4FC0;
	v7 =	vld [tilespmem:s25+$0x2800];
	_ =	sdelay $0x4  }
0x7c: {  	v8 =	vand.u32 $0xFFFF, v7;
	_ =	sdelay $0x4  }
0x7d: {  	v8 =	vld.idx.msk [tilespmem:v8+s3+$0x0], $0xffff;
	_ =	sdelay $0x5  }
0x7e: {  	v8 =	vmul.f32 $1.442695020e+00, v8;
	_ =	sdelay $0x1  }
0x7f: {  	(erf) = vpow2.f32 v8;
	_ =	sdelay $0x1  }
0x80: {  	v8 =	vld [tilespmem:s25+$0x3C00];
	_ =	sdelay $0x4  }
0x81: {  	v9 =	vand.u32 $0xFFFF, v8  }
0x82: {  	v7 =	vshrl.u32 v7, $0x10  }
0x83: {  	v10 =	vpop (erf)  }
0x84: {  	[tilespmem:s21+$0xFFFFFFF0] =	vst v10  }
0x85: {  	[tilespmem:s20+$0xFFFFFFF0] =	vst v9  }
0x86: {  	[tilespmem:v9+s16+$0x0] =	vst.idx.add.f32.msk $0xffff, v10  }
0x87: {  	v7 =	vld.idx.msk [tilespmem:v7+s3+$0x0], $0xffff;
	_ =	sdelay $0x5  }
0x88: {  	v7 =	vmul.f32 $1.442695020e+00, v7;
	_ =	sdelay $0x1  }
0x89: {  	(erf) = vpow2.f32 v7;
	_ =	sdelay $0x6  }
.Ltmp1:
0x8a: {  	v7 =	vshrl.u32 v8, $0x10;
	(pc) =	sbr.rel @p1 .LBB2_4-.Ltmp1, $4  }
0x8b: {  	_ = 	snop  }
0x8c: {  	v8 =	vpop (erf)  }
0x8d: {  	[tilespmem:s21+$0x0] =	vst v8  }
0x8e: {  	s24 =	smov.u32 s23;
	s21 =	sadd.s32 $0x20, s21;
	[tilespmem:s20+$0x0] =	vst v7  }
0x8f: {  	_ =	sdelay $0x3  }
0x90: {  	s22 =	sshra.s32 s22, $0x2;
	[tilespmem:v7+s16+$0x0] =	vst.idx.add.f32.msk $0xffff, v8  }
0x91: {  	v7 =	vld [tilespmem:s22+$0x2800];
	_ =	sdelay $0x4  }
0x92: {  	v8 =	vand.u32 $0xFFFF, v7;
	_ =	sdelay $0x4  }
0x93: {  	v8 =	vld.idx.msk [tilespmem:v8+s3+$0x0], $0xffff;
	_ =	sdelay $0x4  }
0x94: {  	v8 =	vmul.f32 $1.442695020e+00, v8;
	_ =	sdelay $0x1  }
0x95: {  	(erf) = vpow2.f32 v8;
	_ =	sdelay $0x1  }
0x96: {  	v8 =	vld [tilespmem:s22+$0x3C00];
	_ =	sdelay $0x4  }
0x97: {  	v9 =	vand.u32 $0xFFFF, v8  }
0x98: {  	v7 =	vshrl.u32 v7, $0x10  }
0x99: {  	v10 =	vpop (erf)  }
0x9a: {  	s20 =	sadd.s32 $0x20, s20;
	[tilespmem:s21+$0xFFFFFFF0] =	vst v10  }
0x9b: {  	[tilespmem:s20+$0xFFFFFFF0] =	vst v9  }
0x9c: {  	[tilespmem:v9+s16+$0x0] =	vst.idx.add.f32.msk $0xffff, v10  }
0x9d: {  	v7 =	vld.idx.msk [tilespmem:v7+s3+$0x0], $0xffff;
	_ =	sdelay $0x4  }
0x9e: {  	v7 =	vmul.f32 $1.442695020e+00, v7;
	_ =	sdelay $0x1  }
0x9f: {  	(erf) = vpow2.f32 v7;
	_ =	sdelay $0x6  }
0xa0: {  	v7 =	vshrl.u32 v8, $0x10;
	_ =	sdelay $0x1  }
0xa1: {  	v8 =	vpop (erf)  }
0xa2: {  	[tilespmem:s21+$0x0] =	vst v8  }
0xa3: {  	[tilespmem:s20+$0x0] =	vst v7  }
0xa4: {  	[tilespmem:v7+s16+$0x0] =	vst.idx.add.f32.msk $0xffff, v8  }
0xa5: {  	[bflag:$0x0] =	sbarrier.arrive $0xFFFF  }
0xa6: {  	[spmem:s2] =	stream.indirect.scatter.add.f32 [tilespmem:s16], [sflag:$0x1], $0x80, s18, s17, $0xb8;
	[tilespmem:$0xD780] =	vst v63  }
0xa7: {  	_ =	swait.ge [sflag:s10], $0x3000  }
0xa8: {  	[sflag:s10] =	ssyncset.done $0x0  }
0xa9: {  	[sflag:s10] =	ssyncadd.s32 $0xFFFFD000  }
0xaa: {  	[bflag:$0x0] =	sbarrier.arrive $0xFFFF  }
0xab: {  	[tilespmem:s16], [sflag:$0x1] =	stream.linear.gather [spmem:s2], $0x3000, $0x38;
	[tilespmem:$0xD780] =	vst v63  }
0xac: {  	_ =	swait.ge [sflag:s10], $0x3000  }
0xad: {  	[sflag:s10] =	ssyncset.done $0x0  }
0xae: {  	s20 =	simm.s32 $0x0;
	[sflag:s10] =	ssyncadd.s32 $0xFFFFD000  }
0xaf: {  	v7 =	vld [tilespmem:s20+$0x7800];
	_ =	sdelay $0x7  }
0xb0: {  	v7 =	vld.idx.msk [tilespmem:v7+s16+$0x0], $0xffff;
	_ =	sdelay $0x4  }
0xb1: {  	(erf) = vrcp.f32 v7;
	_ =	sdelay $0x2  }
0xb2: {  	s21 =	simm.s32 $0x10  }
0xb3: {  	s22 =	simm.s32 $0x80;
	v7 =	vld [tilespmem:s21+$0x7800]  }
.LBB2_6:
0xb4: {  	p1 =	sne.s32 s22, $0x9FC0;
	v8 =	vld [tilespmem:s20+$0x5000];
	_ =	sdelay $0x3  }
0xb5: {  	v9 =	vpop (erf)  }
0xb6: {  	v8 =	vmul.f32 v9, v8;
	_ =	sdelay $0x1  }
0xb7: {  	[tilespmem:s20+$0x5000] =	vst v8;
	s20 =	smov.u32 s21  }
0xb8: {  	v7 =	vld.idx.msk [tilespmem:v7+s16+$0x0], $0xffff;
	_ =	sdelay $0x5  }
.Ltmp2:
0xb9: {  	(erf) = vrcp.f32 v7;
	(pc) =	sbr.rel @p1 .LBB2_6-.Ltmp2, $3  }
0xba: {  	_ =	sdelay $0x1  }
0xbb: {  	s21 =	sshra.s32 s22, $0x2  }
0xbc: {  	s22 =	sadd.s32 $0x40, s22;
	v7 =	vld [tilespmem:s21+$0x7800]  }
0xbd: {  	v8 =	vld [tilespmem:s20+$0x5000];
	_ =	sdelay $0x3  }
0xbe: {  	v9 =	vpop (erf)  }
0xbf: {  	v8 =	vmul.f32 v9, v8;
	_ =	sdelay $0x1  }
0xc0: {  	[tilespmem:s20+$0x5000] =	vst v8  }
0xc1: {  	v7 =	vld.idx.msk [tilespmem:v7+s16+$0x0], $0xffff;
	_ =	sdelay $0x4  }
0xc2: {  	(erf) = vrcp.f32 v7;
	_ =	sdelay $0x4  }
0xc3: {  	v7 =	vld [tilespmem:s21+$0x5000];
	_ =	sdelay $0x3  }
0xc4: {  	v8 =	vpop (erf)  }
0xc5: {  	v7 =	vmul.f32 v8, v7  }
0xc6: {  	s19 =	sadd.s32 $0x1, s19  }
0xc7: {  	p1 =	sne.s32 s19, s9;
	s20 =	simm.s32 @!p0 $0x0;
	[tilespmem:s21+$0x5000] =	vst v7;
	s21 =	simm.s32 @!p0 $0x5000  }
0xc8: {  	[hbm4b:s8+s20] =	stream.linear.scatter @!p0 [tilespmem:s21], [sflag:$0x1], $0x2800, $0x38;
	[tilespmem:$0xD780] =	vst v63  }
.Ltmp3:
0xc9: {  	_ = 	snop;
	(pc) =	sbr.rel @p1 .LBB2_1-.Ltmp3, $4  }
0xca: {  	s20 =	simm.s32 @!p0 $0x1  }
0xcb: {  	_ =	swait.ge @!p0 [sflag:s20], $0x2800  }
0xcc: {  	[sflag:s20] =	ssyncset.done @!p0 $0x0  }
0xcd: {  	[sflag:s20] =	ssyncadd.s32 @!p0 $0xFFFFD800  }
0xce: {  	_ =	sfence.sel $0x180000  }
0xcf: {  	[bflag:$0x0] =	sbarrier.arrive $0xFFFF  }
0xd0: {  	p0 =	sne.s32 s1, $0x0;
	_ =	strace $0x90000047  }
0xd1: {  	s0 =	sadd.s32 @!p0 $0x100000, s0;
	[bflag:$0x2] =	sbarrier.arrive $0xFFFF  }
0xd2: {  	[sflag:s0] =	ssyncadd.tile.s32 @!p0 $0x1;
	_ =	shalt  }
.Lfunc_end2:
_tile_overlayer_lowered:
.L_overlay_start_2:
0xd3: {  	(tag) =	ssettag $0x2  }
0xd4: {  	s0 =	rddreg [dreg:$0x0];
	s2 =	stileid.u32  }
0xd5: {  	s1 =	rddreg [dreg:$0x1];
	p0 =	sne.s32 s2, $0x0  }
0xd6: {  	s3 =	rddreg [dreg:$0x2];
	[bflag:$0x3] =	sbarrier.arrive $0xFFFF;
	s2 =	simm.s32 @!p0 $0x1C01  }
0xd7: {  	[timem:s3], [sflag:s2] =	dma.local @!p0 [hbm:s0], s1  }
0xd8: {  	s0 =	simm.s32 @!p0 $0x1  }
0xd9: {  	_ =	swait.ge @!p0 [sflag:s0], s1  }
0xda: {  	s1 =	ssub.s32 @!p0 $0x0, s1;
	[sflag:s0] =	ssyncset.done @!p0 $0x0  }
0xdb: {  	[sflag:s0] =	ssyncadd.s32 @!p0 s1  }
0xdc: {  	[bflag:$0x3] =	sbarrier.arrive $0xFFFF  }
0xdd: {  	_ =	shalt  }

// kernel: kernel.8.cloned.1.call-start
scs
__scs_entry_jumppad:
0x0: {  	(pc) =	sbr.rel $0x88, $3  }
0x1: {  	(tag) =	ssettag $0x0;
	lr =	simm.s32 $0x1  }
0x2: {  	[smem:$0x3F9E] =	sst lr;
	_ =	strace $0xD0000000  }
0x3: {  	_ = 	snop  }
0x4: {  	_ = 	snop  }
0x5: {  	_ = 	snop  }
0x6: {  	_ = 	snop  }
0x7: {  	_ = 	snop  }
__scs_overlays_trampoline_lowered:
0x8: {  	[smem:$0x3FAD] =	sst s0  }
0x9: {  	[smem:$0x3FAE] =	sst s1  }
0xa: {  	[smem:$0x3FAF] =	sst s2  }
0xb: {  	[smem:$0x3FB0] =	sst s3  }
0xc: {  	[smem:$0x3FB1] =	sst s4  }
0xd: {  	[smem:$0x3FB2] =	sst s5  }
0xe: {  	[smem:$0x3FB3] =	sst s6  }
0xf: {  	[smem:$0x3FB4] =	sst s7  }
0x10: {  	[smem:$0x3FB5] =	sst s8  }
0x11: {  	[smem:$0x3FB6] =	sst s9;
	s0 =	simm.s32 @!p0 $0x0  }
0x12: {  	s1 =	sld [smem:$0x3F9C];
	s0 =	simm.s32 @p0 $0x1  }
0x13: {  	[smem:$0x3FB7] =	sst s0;
	s0 =	simm.s32 @!p1 $0x0  }
0x14: {  	s2 =	sld [smem:$0x3F9B];
	s0 =	simm.s32 @p1 $0x1  }
0x15: {  	[smem:$0x3FB8] =	sst s0;
	s0 =	simm.s32 @!p2 $0x0  }
0x16: {  	s3 =	sld [smem:$0x3FDB];
	s0 =	simm.s32 @p2 $0x1  }
0x17: {  	s4 =	simm.s32 $0x1BF5;
	[smem:$0x3FBA] =	sst s0  }
0x18: {  	s0 =	sld [smem:$0x3F9D];
	_ =	swait.ge [sflag:s4], $0x0  }
0x19: {  	s7 =	sld [smem:$0x3F9E]  }
0x1a: {  	s8 =	sadd.s32 $0xFFFFE003, lr  }
0x1b: {  	s9 =	sadd.s32 $0xFFFFFEF7, lr;
	s5 =	simm.s32 $0xFFFFFFFF;
	p2 =	slt.u32 s8, $0xFFFFF086  }
0x1c: {  	p1 =	slt.u32 s9, $0xF7A;
	s5 =	simm.s32 @!p2 $0x0  }
0x1d: {  	s5 =	simm.s32 @p1 $0x1;
	p0 =	seq.s32 s7, s2  }
0x1e: {  	s7 =	smul.u32 @!p0 $0xF7A, s2;
	p2 =	seq.s32 @!p0 s5, $0x0  }
0x1f: {  	s9 =	smul.u32 $0xF7A, s1;
	s8 =	simm.s32 @!p0 $0x1BF5;
	p2 =	por !p2, p0  }
0x20: {  	[sflag:s8] =	ssyncset.s32 @!p0 $0xFFFFF086;
	s6 =	sadd.s32 @!p0 s3, s7;
	s7 =	simm.s32 @!p0 $0x108  }
0x21: {  	s3 =	sadd.s32 s3, s9;
	s6 =	sadd.s32 @!p0 $0x88, s6;
	s7 =	simm.s32 @p2 $0x1082  }
0x22: {  	[simem:s7], [sflag:s8] =	dma.local @!p0 [hbm:s6], $0xF7A  }
0x23: {  	s9 =	sor.u32 $0xD0000000, s2;
	s6 =	simm.s32 $0x108;
	_ =	swait.ge @!p0 [sflag:s8], $0x0  }
0x24: {  	s3 =	sadd.s32 $0x88, s3;
	s6 =	simm.s32 @!p1 $0x1082;
	[sflag:s4] =	ssyncset.s32 $0xFFFFF086  }
0x25: {  	[simem:s6], [sflag:s4] =	dma.local [hbm:s3], $0xF7A  }
0x26: {  	[smem:$0x3F9E] =	sst s1;
	(tag) =	ssettag s2;
	_ =	strace s9  }
0x27: {  	s1 =	sld [smem:$0x3FAE]  }
0x28: {  	s2 =	sld [smem:$0x3FAF]  }
0x29: {  	s4 =	sld [smem:$0x3FB1]  }
0x2a: {  	p0 =	seq.s32 s5, $0x0;
	s5 =	sld [smem:$0x3FB2]  }
0x2b: {  	s6 =	sld [smem:$0x3FB3]  }
0x2c: {  	s7 =	sld [smem:$0x3FB4]  }
0x2d: {  	s3 =	simm.s32 $0x108;
	s8 =	sld [smem:$0x3FB5]  }
0x2e: {  	s3 =	simm.s32 @!p0 $0x1082;
	s9 =	sld [smem:$0x3FB6]  }
0x2f: {  	lr =	sadd.s32 s0, s3;
	s0 =	sld [smem:$0x3FAD]  }
0x30: {  	s3 =	sld [smem:$0x3FB0]  }
0x31: {  	[smem:$0x3FB9] =	sst s10  }
0x32: {  	s10 =	sld [smem:$0x3FB7];
	_ =	sdelay $0x3  }
0x33: {  	p0 =	seq.s32 s10, $0x1;
	s10 =	sld [smem:$0x3FB9];
	_ =	sdelay $0x3  }
0x34: {  	[smem:$0x3FB9] =	sst s10  }
0x35: {  	s10 =	sld [smem:$0x3FB8];
	_ =	sdelay $0x3  }
0x36: {  	p1 =	seq.s32 s10, $0x1;
	s10 =	sld [smem:$0x3FB9];
	_ =	sdelay $0x3  }
0x37: {  	[smem:$0x3FB9] =	sst s10  }
0x38: {  	s10 =	sld [smem:$0x3FBA]  }
0x39: {  	_ = 	snop;
	(pc) =	sbr.ind lr, $3  }
0x3a: {  	_ = 	snop  }
0x3b: {  	_ = 	snop  }
0x3c: {  	p2 =	seq.s32 s10, $0x1;
	s10 =	sld [smem:$0x3FB9]  }
0x3d: {  	_ =	shalt  }
0x3e: {  	_ =	shalt  }
0x3f: {  	_ =	shalt  }
0x40: {  	_ =	shalt  }
0x41: {  	_ =	shalt  }
0x42: {  	_ =	shalt  }
0x43: {  	_ =	shalt  }
0x44: {  	_ =	shalt  }
0x45: {  	_ =	shalt  }
0x46: {  	_ =	shalt  }
0x47: {  	_ =	shalt  }
0x48: {  	_ =	shalt  }
0x49: {  	_ =	shalt  }
0x4a: {  	_ =	shalt  }
0x4b: {  	_ =	shalt  }
0x4c: {  	_ =	shalt  }
0x4d: {  	_ =	shalt  }
0x4e: {  	_ =	shalt  }
0x4f: {  	_ =	shalt  }
0x50: {  	_ =	shalt  }
0x51: {  	_ =	shalt  }
0x52: {  	_ =	shalt  }
0x53: {  	_ =	shalt  }
0x54: {  	_ =	shalt  }
0x55: {  	_ =	shalt  }
0x56: {  	_ =	shalt  }
0x57: {  	_ =	shalt  }
0x58: {  	_ =	shalt  }
0x59: {  	_ =	shalt  }
0x5a: {  	_ =	shalt  }
0x5b: {  	_ =	shalt  }
0x5c: {  	_ =	shalt  }
0x5d: {  	_ =	shalt  }
0x5e: {  	_ =	shalt  }
0x5f: {  	_ =	shalt  }
0x60: {  	_ =	shalt  }
0x61: {  	_ =	shalt  }
0x62: {  	_ =	shalt  }
0x63: {  	_ =	shalt  }
0x64: {  	_ =	shalt  }
0x65: {  	_ =	shalt  }
0x66: {  	_ =	shalt  }
0x67: {  	_ =	shalt  }
0x68: {  	_ =	shalt  }
0x69: {  	_ =	shalt  }
0x6a: {  	_ =	shalt  }
0x6b: {  	_ =	shalt  }
0x6c: {  	_ =	shalt  }
0x6d: {  	_ =	shalt  }
0x6e: {  	_ =	shalt  }
0x6f: {  	_ =	shalt  }
0x70: {  	_ =	shalt  }
0x71: {  	_ =	shalt  }
0x72: {  	_ =	shalt  }
0x73: {  	_ =	shalt  }
0x74: {  	_ =	shalt  }
0x75: {  	_ =	shalt  }
0x76: {  	_ =	shalt  }
0x77: {  	_ =	shalt  }
0x78: {  	_ =	shalt  }
0x79: {  	_ =	shalt  }
0x7a: {  	_ =	shalt  }
0x7b: {  	_ =	shalt  }
0x7c: {  	_ =	shalt  }
0x7d: {  	_ =	shalt  }
0x7e: {  	_ =	shalt  }
0x7f: {  	_ =	shalt  }
0x80: {  	_ =	shalt  }
0x81: {  	_ =	shalt  }
0x82: {  	_ =	shalt  }
0x83: {  	_ =	shalt  }
0x84: {  	_ =	shalt  }
0x85: {  	_ =	shalt  }
0x86: {  	_ =	shalt  }
0x87: {  	_ =	shalt  }
.Lfunc_end0:
.L_simem_size_0:
called_computation.1_lowered:
.L_overlay_start_0:
0x88: {  	s2 =	sld [smem:$0x3FD9]  }
0x89: {  	s3 =	sld [smem:$0x3FFE];
	_ =	sdelay $0x1  }
0x8a: {  	s1 =	srdreg.scid  }
0x8b: {  	s0 =	sand.u32 $0x1, s1  }
0x8c: {  	s17 =	sshll.u32 s0, $0xA;
	s2 =	sadd.s32 s3, s2  }
0x8d: {  	s2 =	sadd.s32 s2, s17  }
0x8e: {  	[smem:$0x3FC5] =	sst s2  }
0x8f: {  	_ = 	snop  }
0x90: {  	s2 =	sld [smem:$0x3FD0];
	(tm) =	ssettm $0x1  }
0x91: {  	s18 =	sld [smem:$0x3FFB];
	_ =	sdelay $0x3  }
0x92: {  	_ =	strace s18  }
0x93: {  	s3 =	sld [smem:$0x3FFC];
	_ =	sdelay $0x3  }
0x94: {  	_ =	strace s3  }
0x95: {  	s3 =	sld [smem:$0x3FFD];
	_ =	sdelay $0x3  }
0x96: {  	_ =	strace s3  }
0x97: {  	_ =	strace $0x8FFFFFFF  }
0x98: {  	s19 =	sld [smem:$0x3FDB];
	_ =	sdelay $0x1  }
0x99: {  	s4 =	simm.s32 $_scs_section_size  }
0x9a: {  	s5 =	simm.s32 $_size__tile_overlayer_lowered;
	s6 =	simm.s32 $_tile_overlayer_lowered  }
0x9b: {  	s22 =	simm.s32 $0x1BFF;
	s21 =	sshll.u32 s6, $0x1;
	s3 =	sadd.s32 s4, s19  }
0x9c: {  	s7 =	simm.s32 $0x0;
	s20 =	sshll.u32 s5, $0x1;
	s5 =	sadd.s32 s21, s3  }
0x9d: {  	[timem:s7], [sflag:s22] =	dma.local [hbm:s5], s20  }
0x9e: {  	_ =	swait.ge [sflag:s22], s20  }
0x9f: {  	s4 =	ssub.s32 $0x0, s20;
	[sflag:s22] =	ssyncset.done $0x0  }
0xa0: {  	[sflag:s22] =	ssyncadd.s32 s4;
	_ =	sdelay $0x1  }
0xa1: {  	s23 =	simm.s32 $0x1B8B  }
0xa2: {  	_ =	swait.ge [sflag:s23], $0x1  }
0xa3: {  	[sflag:s23] =	ssyncset.done $0x0  }
0xa4: {  	s25 =	simm.s32 $0x1B8E;
	s24 =	sld [smem:$0x3FFE];
	[sflag:s23] =	ssyncadd.s32 $0xFFFFFFFF  }
0xa5: {  	s26 =	simm.s32 $execute0_lowered;
	[smem:$0x3FD2] =	sst s25  }
0xa6: {  	s5 =	sshll.u32 s26, $0x1;
	_ =	strace $0x80000049;
	[dreg:$0x1] =	wrdreg $0xFFFFFFFF  }
0xa7: {  	s28 =	simm.s32 $_size_execute0_lowered;
	s3 =	sadd.s32 s3, s5;
	[dreg:$0x0] =	wrdreg $0x0  }
0xa8: {  	s5 =	sshll.u32 s28, $0x1;
	[dreg:$0x2] =	wrdreg s3  }
0xa9: {  	[dreg:$0x3] =	wrdreg s5  }
0xaa: {  	[dreg:$0x4] =	wrdreg $0xC0  }
0xab: {  	_ =	task [dreg:s7], $0x5FFFF  }
0xac: {  	[dreg:$0x1] =	wrdreg $0xFFFFFFFF  }
0xad: {  	[dreg:$0x0] =	wrdreg $0x60  }
0xae: {  	[dreg:$0x2] =	wrdreg s2  }
0xaf: {  	[dreg:$0x3] =	wrdreg s24  }
0xb0: {  	[dreg:$0x4] =	wrdreg $0x92000  }
0xb1: {  	[dreg:$0x5] =	wrdreg $0x9  }
0xb2: {  	_ =	task.clear_ibuf [dreg:s7], $0x6FFFF;
	_ =	strace $0x90000049  }
0xb3: {  	s29 =	simm.s32 $0x9;
	_ =	strace $0x8000004B  }
0xb4: {  	_ =	swait.ge [sflag:s29], $0x1  }
0xb5: {  	[sflag:s29] =	ssyncadd.s32 $0xFFFFFFFF  }
0xb6: {  	_ =	strace $0x9000004B  }
0xb7: {  	_ =	sfence  }
0xb8: {  	s30 =	sld [smem:$0x0];
	_ =	sdelay $0x2  }
0xb9: {  	s31 =	sshll.u32 s1, $0xD;
	s1 =	sshrl.u32 s1, $0x2  }
0xba: {  	s3 =	sand.u32 $0x4000, s31;
	s1 =	sadd.s32 s1, s30  }
0xbb: {  	s0 =	sor.u32 s3, s0;
	s1 =	sshll.u32 s1, $0x11  }
0xbc: {  	s0 =	sor.u32 s1, s0  }
0xbd: {  	s0 =	sadd.s32 $0x8F2B, s0  }
0xbe: {  	[sflag:s0] =	ssyncadd.remote.s32 $0x1  }
0xbf: {  	_ =	sfence.sel $0xFFFF  }
0xc0: {  	[dreg:$0x0] =	wrdreg $0xFFFFFFFF;
	(pc) =	sbr.abs _section_cstart, $3  }
0xc1: {  	[dreg:$0x1] =	wrdreg $0xFFFFFFFF  }
0xc2: {  	_ =	task.clear_ibuf [dreg:s7], $0x2FFFF;
	_ =	strace $0x9FFFFFFF  }
0xc3: {  	(tm) =	ssettm $0x7FFFFFFF  }
tec
execute0_lowered:
.L_overlay_start_1:
0x0: {  	(tag) =	ssettag $0x1  }
0x1: {  	s2 =	rddreg [dreg:$0x0]  }
0x2: {  	s0 =	rddreg [dreg:$0x1]  }
0x3: {  	s3 =	rddreg [dreg:$0x2]  }
0x4: {  	s13 =	stileid.u32;
	s5 =	simm.s32 $0x0;
	s22 =	srdreg.scid  }
0x5: {  	s11 =	simm.s32 $0x400;
	s12 =	simm.s32 $0x5;
	s14 =	simm.s32 $0x2800  }
0x6: {  	s17 =	simm.s32 $0x40;
	s19 =	simm.s32 $0x5200;
	s20 =	simm.s32 $0x5080  }
0x7: {  	s21 =	simm.s32 $0x7200;
	s28 =	simm.s32 $0x5180;
	s29 =	simm.s32 $0x4  }
0x8: {  	s30 =	simm.s32 $0x0;
	s1 =	sshrl.u32 s13, $0x3;
	s23 =	smul.u32 $0x500, s13  }
0x9: {  	s4 =	sshll.u32 s13, $0x7;
	[smem:$0x7FF] =	sst s5;
	s9 =	smul.u32 $0x4F000, s13  }
0xa: {  	s10 =	sadd.s32 $0xB000, s0;
	s31 =	smul.u32 $0x2780, s13;
	s13 =	sshll.u32 s13, $0x6  }
0xb: {  	s1 =	smul.u32 $0xA000, s1;
	s4 =	sand.u32 $0x380, s4;
	_ =	strace $0x8000004A  }
0xc: {  	[dreg:$0x4] =	wrdreg s10;
	s10 =	simm.s32 $0x80;
	s15 =	sor.u32 $0x1C05, s13  }
0xd: {  	s5 =	sadd.s32 s23, s0;
	s1 =	sor.u32 s4, s1;
	s4 =	sand.u32 $0x1, s22  }
0xe: {  	s26 =	sshrl.u32 s9, $0x2;
	s22 =	simm.s32 $0x1;
	s6 =	smul.u32 $0x27800, s4  }
0xf: {  	s1 =	sshrl.u32 s1, $0x3;
	s7 =	ssub.s32 $0x2, s4;
	s4 =	smul.u32 $0x2710, s4  }
0x10: {  	s1 =	sadd.s32 s1, s0;
	s8 =	sshrl.u32 s7, $0x1;
	s0 =	sadd.s32 s6, s0  }
.Ltmp0:
0x11: {  	s24 =	ssub.s32 s7, s8;
	s25 =	sadd.s32 $0xA00, s1;
	(pc) =	sbr.rel .LBB2_1-.Ltmp0, $4  }
0x12: {  	s1 =	sadd.s32 $0x3200, s1;
	s8 =	sadd.s32 $0x6000, s5;
	[dreg:$0x5] =	wrdreg s25  }
0x13: {  	[dreg:$0x6] =	wrdreg s1;
	s1 =	sadd.s32 s26, s3;
	s0 =	sadd.s32 $0xD800, s0  }
0x14: {  	s9 =	smax.u32 s24, $0x1;
	s24 =	simm.s32 $0x5100;
	s25 =	simm.s32 $0x2  }
0x15: {  	v0 =	vmov s4;
	s26 =	simm.s32 $0x3;
	s16 =	sshrl.u32 s1, $0x3;
	s23 =	sadd.s32 s31, s0  }
.LBB2_8:
0x16: {  	s30 =	sadd.s32 $0x1, s30  }
0x17: {  	p0 =	sne.s32 s30, s9  }
.Ltmp1:
0x18: {  	[bflag:$0x0] =	sbarrier.arrive $0xFFFF;
	(pc) =	sbr.rel @!p0 .LBB2_9-.Ltmp1, $4  }
0x19: {  	[hbm:s23], [sflag:s15] =	dma.local [spmem:s16], $0x2780  }
0x1a: {  	_ =	swait.ge [sflag:s12], $0x2780  }
0x1b: {  	[sflag:s12] =	ssyncset.done $0x0  }
0x1c: {  	[sflag:s12] =	ssyncadd.s32 $0xFFFFD880  }
.LBB2_1:
0x1d: {  	s0 =	simm.s32 $0x0;
	s1 =	rddreg [dreg:$0x5]  }
0x1e: {  	[tilespmem:s0], [sflag:$0x5] =	stream.strided.gather [hbm4b:s1+s10], $0x1400, s11, s10, $0x38;
	[tilespmem:$0x1CE00] =	vst v63  }
0x1f: {  	_ =	swait.ge [sflag:s12], $0x1400  }
0x20: {  	[sflag:s12] =	ssyncset.done $0x0  }
0x21: {  	s4 =	simm.s32 $0x1400;
	s7 =	rddreg [dreg:$0x6];
	[sflag:s12] =	ssyncadd.s32 $0xFFFFEC00  }
0x22: {  	[tilespmem:s4], [sflag:$0x5] =	stream.strided.gather [hbm4b:s7+s10], $0x1400, s11, s10, $0x38;
	[tilespmem:$0x1CE00] =	vst v63  }
0x23: {  	_ =	swait.ge [sflag:s12], $0x1400  }
0x24: {  	[sflag:s12] =	ssyncset.done $0x0  }
0x25: {  	[sflag:s12] =	ssyncadd.s32 $0xFFFFEC00  }
0x26: {  	[tilespmem:s14], [sflag:$0x5] =	stream.linear.gather [hbm4b:s8+s0], $0x2800, $0x38;
	[tilespmem:$0x1CE00] =	vst v63  }
0x27: {  	_ =	swait.ge [sflag:s12], $0x2800  }
0x28: {  	[sflag:s12] =	ssyncset.done $0x0  }
0x29: {  	s13 =	rddreg [dreg:$0x4];
	[sflag:s12] =	ssyncadd.s32 $0xFFFFD800  }
0x2a: {  	[spmem:s16], [sflag:s15] =	dma.local [hbm:s13], $0x2780  }
0x2b: {  	_ =	swait.ge [sflag:s12], $0x2780  }
0x2c: {  	[sflag:s12] =	ssyncset.done $0x0  }
0x2d: {  	[sflag:s12] =	ssyncadd.s32 $0xFFFFD880  }
0x2e: {  	[bflag:$0x0] =	sbarrier.arrive $0xFFFF  }
0x2f: {  	v1 =	vld [tilespmem:$0x0];
	_ =	sdelay $0x1  }
0x30: {  	v2 =	vld [tilespmem:$0x10];
	_ =	sdelay $0x2  }
0x31: {  	v3 =	vand.u32 $0xFFFF, v1  }
0x32: {  	v1 =	vshrl.u32 v1, $0x10;
	v3 =	vadd.s32 v0, v3  }
0x33: {  	v1 =	vadd.s32 v0, v1;
	[tilespmem:$0x5000] =	vst v3;
	v3 =	vand.u32 $0xFFFF, v2  }
0x34: {  	[tilespmem:$0x5010] =	vst v1;
	v2 =	vshrl.u32 v2, $0x10;
	v1 =	vadd.s32 v0, v3  }
0x35: {  	v2 =	vadd.s32 v0, v2;
	[tilespmem:$0x5020] =	vst v1  }
0x36: {  	s18 =	simm.s32 $0x5000;
	[tilespmem:$0x5030] =	vst v2  }
0x37: {  	[tilespmem:s19], [sflag:$0x1] =	stream.indirect.gather [hbm4b:s2+s17], $0x80, s18, s17, $0xb8;
	[tilespmem:$0x1CE00] =	vst v63  }
0x38: {  	v1 =	vld [tilespmem:$0x20];
	_ =	sdelay $0x1  }
0x39: {  	v2 =	vld [tilespmem:$0x30];
	_ =	sdelay $0x2  }
0x3a: {  	v3 =	vand.u32 $0xFFFF, v1  }
0x3b: {  	v1 =	vshrl.u32 v1, $0x10;
	v3 =	vadd.s32 v0, v3  }
0x3c: {  	v1 =	vadd.s32 v0, v1;
	[tilespmem:$0x5080] =	vst v3;
	v3 =	vand.u32 $0xFFFF, v2  }
0x3d: {  	[tilespmem:$0x5090] =	vst v1;
	v2 =	vshrl.u32 v2, $0x10;
	v1 =	vadd.s32 v0, v3  }
0x3e: {  	v2 =	vadd.s32 v0, v2;
	[tilespmem:$0x50A0] =	vst v1  }
0x3f: {  	s31 =	simm.s32 $0x0;
	s0 =	simm.s32 $0x0;
	[tilespmem:$0x50B0] =	vst v2  }
0x40: {  	[tilespmem:s21], [sflag:$0x2] =	stream.indirect.gather [hbm4b:s2+s17], $0x80, s20, s17, $0xb8;
	[tilespmem:$0x1CE00] =	vst v63  }
.LBB2_2:
0x41: {  	s4 =	sadd.s32 $0x0, s31  }
0x42: {  	v1 =	vmov s4  }
0x43: {  	v1 =	vand.u32 $0xFFFFFFFE, v1  }
0x44: {  	v2 =	vbroadcast v1, $0x0;
	_ =	sdelay $0x1  }
0x45: {  	_ =	swait.ge [sflag:s22], $0x2000  }
0x46: {  	[sflag:s22] =	ssyncset.done $0x0  }
0x47: {  	s1 =	simm.s32 $0x5280;
	[sflag:s22] =	ssyncadd.s32 $0xFFFFE000  }
0x48: {  	v5 =	vld [tilespmem:s1+$0xFFFFFFF0]  }
0x49: {  	v6 =	vld.idx.msk [tilespmem:v2+s14+$0x0], $0xffff  }
0x4a: {  	v7 =	vld [tilespmem:s1+$0xFFFFFF80]  }
0x4b: {  	v8 =	vld [tilespmem:s1+$0xFFFFFFA0]  }
0x4c: {  	v4 =	vld [tilespmem:s1+$0xFFFFFFB0]  }
0x4d: {  	v3 =	vld [tilespmem:s1+$0xFFFFFFD0]  }
0x4e: {  	v10 =	vld [tilespmem:s1+$0xFFFFFF90];
	v5 =	vmul.f32 v5, v6  }
0x4f: {  	v9 =	vld [tilespmem:s1+$0xFFFFFFE0];
	v7 =	vmul.f32 v7, v6  }
0x50: {  	v11 =	vld [tilespmem:s1+$0xFFFFFFC0];
	v8 =	vmul.f32 v8, v6;
	[tilespmem:s1+$0xFFFFFFF0] =	vst v5  }
0x51: {  	v4 =	vmul.f32 v4, v6;
	[tilespmem:s1+$0xFFFFFF80] =	vst v7  }
0x52: {  	s4 =	sadd.s32 $0x1, s4;
	v3 =	vmul.f32 v3, v6;
	[tilespmem:s1+$0xFFFFFFA0] =	vst v8  }
0x53: {  	v5 =	vmul.f32 v10, v6;
	[tilespmem:s1+$0xFFFFFFB0] =	vst v4;
	v7 =	vmov s4  }
0x54: {  	v1 =	vld [tilespmem:s1+$0x0];
	v4 =	vmul.f32 v9, v6;
	[tilespmem:s1+$0xFFFFFFD0] =	vst v3  }
0x55: {  	v2 =	vld [tilespmem:s1+$0x10];
	v3 =	vmul.f32 v11, v6;
	[tilespmem:s1+$0xFFFFFF90] =	vst v5  }
0x56: {  	[tilespmem:s1+$0xFFFFFFE0] =	vst v4;
	v5 =	vld [tilespmem:s1+$0x30]  }
0x57: {  	[tilespmem:s1+$0xFFFFFFC0] =	vst v3;
	v4 =	vld [tilespmem:s1+$0x70]  }
0x58: {  	s5 =	simm.s32 $0x5280;
	s4 =	simm.s32 $0x2;
	v3 =	vld.idx.msk [tilespmem:v7+s14+$0x0], $0xffff  }
.LBB2_3:
0x59: {  	p0 =	sne.s32 s4, $0x3E  }
0x5a: {  	v6 =	vld [tilespmem:s1+$0x20];
	s5 =	sadd.s32 $0x100, s5;
	s13 =	smov.u32 s4;
	s4 =	sadd.s32 $0x2, s4  }
0x5b: {  	v7 =	vld [tilespmem:s1+$0x40]  }
0x5c: {  	v8 =	vld [tilespmem:s1+$0x50]  }
0x5d: {  	v9 =	vld [tilespmem:s1+$0x60];
	_ =	sdelay $0x1  }
0x5e: {  	v1 =	vmul.f32 v1, v3;
	v2 =	vmul.f32 v2, v3  }
0x5f: {  	s13 =	sadd.s32 s13, s31;
	v5 =	vmul.f32 v5, v3;
	v6 =	vmul.f32 v6, v3  }
0x60: {  	v10 =	vmov s13;
	s13 =	sadd.s32 $0x1, s13;
	v7 =	vmul.f32 v7, v3;
	[tilespmem:s1+$0x0] =	vst v1;
	v8 =	vmul.f32 v8, v3  }
0x61: {  	v10 =	vand.u32 $0xFFFFFFFE, v10;
	v1 =	vld [tilespmem:s5+$0x0];
	[tilespmem:s1+$0x30] =	vst v5;
	v5 =	vmul.f32 v9, v3;
	v3 =	vmul.f32 v4, v3  }
0x62: {  	v4 =	vbroadcast v10, $0x0;
	[tilespmem:s1+$0x10] =	vst v2  }
0x63: {  	[tilespmem:s1+$0x70] =	vst v3  }
0x64: {  	v3 =	vld [tilespmem:s5+$0xFFFFFFD0];
	[tilespmem:s1+$0x20] =	vst v6  }
0x65: {  	v6 =	vld [tilespmem:s5+$0xFFFFFFB0];
	[tilespmem:s1+$0x60] =	vst v5  }
0x66: {  	v5 =	vld [tilespmem:s5+$0xFFFFFFE0];
	[tilespmem:s1+$0x40] =	vst v7  }
0x67: {  	v7 =	vld [tilespmem:s5+$0xFFFFFFF0];
	[tilespmem:s1+$0x50] =	vst v8;
	s1 =	smov.u32 s5  }
0x68: {  	v4 =	vld.idx.msk [tilespmem:v4+s14+$0x0], $0xffff  }
0x69: {  	v8 =	vld [tilespmem:s5+$0xFFFFFF80]  }
0x6a: {  	v9 =	vld [tilespmem:s5+$0xFFFFFFA0]  }
0x6b: {  	v10 =	vld [tilespmem:s5+$0xFFFFFF90]  }
0x6c: {  	v11 =	vld [tilespmem:s5+$0xFFFFFFC0]  }
0x6d: {  	v2 =	vld [tilespmem:s5+$0x10]  }
0x6e: {  	v7 =	vmul.f32 v7, v4;
	v8 =	vmul.f32 v8, v4  }
0x6f: {  	v5 =	vmul.f32 v5, v4;
	v9 =	vmul.f32 v9, v4  }
0x70: {  	v6 =	vmul.f32 v6, v4;
	v10 =	vmul.f32 v10, v4;
	[tilespmem:s5+$0xFFFFFFF0] =	vst v7  }
0x71: {  	v3 =	vmul.f32 v3, v4;
	[tilespmem:s5+$0xFFFFFF80] =	vst v8;
	v7 =	vmul.f32 v11, v4  }
0x72: {  	[tilespmem:s5+$0xFFFFFFA0] =	vst v9  }
0x73: {  	[tilespmem:s5+$0xFFFFFFB0] =	vst v6;
	v6 =	vmov s13  }
.Ltmp2:
0x74: {  	[tilespmem:s5+$0xFFFFFFD0] =	vst v3;
	(pc) =	sbr.rel @p0 .LBB2_3-.Ltmp2, $4  }
0x75: {  	[tilespmem:s5+$0xFFFFFF90] =	vst v10  }
0x76: {  	[tilespmem:s5+$0xFFFFFFE0] =	vst v5;
	v5 =	vld [tilespmem:s5+$0x30]  }
0x77: {  	[tilespmem:s5+$0xFFFFFFC0] =	vst v7;
	v4 =	vld [tilespmem:s5+$0x70]  }
0x78: {  	v3 =	vld.idx.msk [tilespmem:v6+s14+$0x0], $0xffff  }
0x79: {  	_ =	sdelay $0x2  }
0x7a: {  	v6 =	vld [tilespmem:s1+$0x20]  }
0x7b: {  	v7 =	vld [tilespmem:s1+$0x60];
	v1 =	vmul.f32 v1, v3  }
0x7c: {  	v8 =	vld [tilespmem:s1+$0x40];
	v5 =	vmul.f32 v5, v3  }
0x7d: {  	v9 =	vld [tilespmem:s1+$0x50];
	v2 =	vmul.f32 v2, v3;
	[tilespmem:s1+$0x0] =	vst v1  }
0x7e: {  	[tilespmem:s1+$0x30] =	vst v5;
	v1 =	vmul.f32 v4, v3  }
0x7f: {  	v4 =	vmul.f32 v6, v3;
	[tilespmem:s1+$0x10] =	vst v2  }
0x80: {  	v2 =	vmul.f32 v7, v3;
	[tilespmem:s1+$0x70] =	vst v1  }
0x81: {  	v1 =	vmul.f32 v8, v3;
	[tilespmem:s1+$0x20] =	vst v4  }
0x82: {  	v3 =	vmul.f32 v9, v3;
	[tilespmem:s1+$0x60] =	vst v2  }
0x83: {  	[tilespmem:s1+$0x40] =	vst v1  }
0x84: {  	[tilespmem:s1+$0x50] =	vst v3;
	s1 =	sshll.u32 s0, $0x6  }
0x85: {  	v1 =	vld [tilespmem:s1+$0x1400];
	_ =	sdelay $0x4  }
0x86: {  	v2 =	vand.u32 $0xFFFF, v1  }
0x87: {  	v1 =	vshrl.u32 v1, $0x10;
	[tilespmem:$0x5100] =	vst v2  }
0x88: {  	[tilespmem:$0x5110] =	vst v1  }
0x89: {  	v1 =	vld [tilespmem:s1+$0x1410];
	_ =	sdelay $0x3  }
0x8a: {  	s4 =	sadd.s32 $0xFFFFFFC0, s31  }
0x8b: {  	s5 =	sadd.s32 $0x80, s4;
	v2 =	vand.u32 $0xFFFF, v1;
	v1 =	vshrl.u32 v1, $0x10  }
0x8c: {  	[tilespmem:$0x5130] =	vst v1;
	v1 =	vmov s5  }
0x8d: {  	v1 =	vand.u32 $0xFFFFFFFE, v1  }
0x8e: {  	[tilespmem:$0x5120] =	vst v2;
	v2 =	vbroadcast v1, $0x0  }
0x8f: {  	[spmem:s3] =	stream.indirect.scatter.add.f32 [tilespmem:s19], [sflag:$0x3], $0x80, s24, s17, $0xb8;
	[tilespmem:$0x1CE00] =	vst v63  }
0x90: {  	_ =	swait.ge [sflag:s25], $0x2000  }
0x91: {  	[sflag:s25] =	ssyncset.done $0x0  }
0x92: {  	s13 =	simm.s32 $0x7280;
	[sflag:s25] =	ssyncadd.s32 $0xFFFFE000  }
0x93: {  	v5 =	vld [tilespmem:s13+$0xFFFFFFF0]  }
0x94: {  	v6 =	vld.idx.msk [tilespmem:v2+s14+$0x0], $0xffff  }
0x95: {  	v7 =	vld [tilespmem:s13+$0xFFFFFF80]  }
0x96: {  	v62 =	vld [tilespmem:s13+$0xFFFFFFA0]  }
0x97: {  	v4 =	vld [tilespmem:s13+$0xFFFFFFB0]  }
0x98: {  	v3 =	vld [tilespmem:s13+$0xFFFFFFD0]  }
0x99: {  	v10 =	vld [tilespmem:s13+$0xFFFFFF90];
	v5 =	vmul.f32 v5, v6  }
0x9a: {  	v63 =	vld [tilespmem:s13+$0xFFFFFFE0];
	v7 =	vmul.f32 v7, v6  }
0x9b: {  	v11 =	vld [tilespmem:s13+$0xFFFFFFC0];
	v8 =	vmul.f32 v62, v6;
	[tilespmem:s13+$0xFFFFFFF0] =	vst v5  }
0x9c: {  	v4 =	vmul.f32 v4, v6;
	[tilespmem:s13+$0xFFFFFF80] =	vst v7  }
0x9d: {  	s4 =	sadd.s32 $0x81, s4;
	v3 =	vmul.f32 v3, v6;
	[tilespmem:s13+$0xFFFFFFA0] =	vst v8  }
0x9e: {  	v5 =	vmul.f32 v10, v6;
	[tilespmem:s13+$0xFFFFFFB0] =	vst v4;
	v7 =	vmov s4  }
0x9f: {  	v1 =	vld [tilespmem:s13+$0x0];
	v4 =	vmul.f32 v63, v6;
	[tilespmem:s13+$0xFFFFFFD0] =	vst v3  }
0xa0: {  	v2 =	vld [tilespmem:s13+$0x10];
	v3 =	vmul.f32 v11, v6;
	[tilespmem:s13+$0xFFFFFF90] =	vst v5  }
0xa1: {  	[tilespmem:s13+$0xFFFFFFE0] =	vst v4;
	v5 =	vld [tilespmem:s13+$0x30]  }
0xa2: {  	[tilespmem:s13+$0xFFFFFFC0] =	vst v3;
	v4 =	vld [tilespmem:s13+$0x70]  }
0xa3: {  	s18 =	sshllo.u32 s0, $0x1;
	s5 =	simm.s32 $0x7280;
	s4 =	simm.s32 $0xFFFFFFC2;
	v3 =	vld.idx.msk [tilespmem:v7+s14+$0x0], $0xffff  }
.LBB2_5:
0xa4: {  	p0 =	sne.s32 s4, $0xFFFFFFFE  }
0xa5: {  	v6 =	vld [tilespmem:s13+$0x20];
	s5 =	sadd.s32 $0x100, s5;
	s6 =	smov.u32 s4;
	s4 =	sadd.s32 $0x2, s4  }
0xa6: {  	v7 =	vld [tilespmem:s13+$0x40]  }
0xa7: {  	v8 =	vld [tilespmem:s13+$0x50]  }
0xa8: {  	v9 =	vld [tilespmem:s13+$0x60];
	_ =	sdelay $0x1  }
0xa9: {  	s6 =	sadd.s32 s6, s31;
	v1 =	vmul.f32 v1, v3;
	v2 =	vmul.f32 v2, v3  }
0xaa: {  	s7 =	sadd.s32 $0x80, s6;
	s6 =	sadd.s32 $0x81, s6;
	v5 =	vmul.f32 v5, v3;
	v6 =	vmul.f32 v6, v3  }
0xab: {  	v10 =	vmov s7;
	v7 =	vmul.f32 v7, v3;
	[tilespmem:s13+$0x0] =	vst v1;
	v8 =	vmul.f32 v8, v3  }
0xac: {  	v10 =	vand.u32 $0xFFFFFFFE, v10;
	v1 =	vld [tilespmem:s5+$0x0];
	[tilespmem:s13+$0x30] =	vst v5;
	v5 =	vmul.f32 v9, v3;
	v3 =	vmul.f32 v4, v3  }
0xad: {  	v4 =	vbroadcast v10, $0x0;
	[tilespmem:s13+$0x10] =	vst v2  }
0xae: {  	[tilespmem:s13+$0x70] =	vst v3  }
0xaf: {  	v3 =	vld [tilespmem:s5+$0xFFFFFFD0];
	[tilespmem:s13+$0x20] =	vst v6  }
0xb0: {  	v6 =	vld [tilespmem:s5+$0xFFFFFFB0];
	[tilespmem:s13+$0x60] =	vst v5  }
0xb1: {  	v5 =	vld [tilespmem:s5+$0xFFFFFFE0];
	[tilespmem:s13+$0x40] =	vst v7  }
0xb2: {  	v7 =	vld [tilespmem:s5+$0xFFFFFFF0];
	[tilespmem:s13+$0x50] =	vst v8;
	s13 =	smov.u32 s5  }
0xb3: {  	v4 =	vld.idx.msk [tilespmem:v4+s14+$0x0], $0xffff  }
0xb4: {  	v8 =	vld [tilespmem:s5+$0xFFFFFF80]  }
0xb5: {  	v9 =	vld [tilespmem:s5+$0xFFFFFFA0]  }
0xb6: {  	v10 =	vld [tilespmem:s5+$0xFFFFFF90]  }
0xb7: {  	v11 =	vld [tilespmem:s5+$0xFFFFFFC0]  }
0xb8: {  	v2 =	vld [tilespmem:s5+$0x10]  }
0xb9: {  	v7 =	vmul.f32 v7, v4;
	v8 =	vmul.f32 v8, v4  }
0xba: {  	v5 =	vmul.f32 v5, v4;
	v9 =	vmul.f32 v9, v4  }
0xbb: {  	v6 =	vmul.f32 v6, v4;
	v10 =	vmul.f32 v10, v4;
	[tilespmem:s5+$0xFFFFFFF0] =	vst v7  }
0xbc: {  	v3 =	vmul.f32 v3, v4;
	[tilespmem:s5+$0xFFFFFF80] =	vst v8;
	v7 =	vmul.f32 v11, v4  }
0xbd: {  	[tilespmem:s5+$0xFFFFFFA0] =	vst v9  }
0xbe: {  	[tilespmem:s5+$0xFFFFFFB0] =	vst v6;
	v6 =	vmov s6  }
.Ltmp3:
0xbf: {  	[tilespmem:s5+$0xFFFFFFD0] =	vst v3;
	(pc) =	sbr.rel @p0 .LBB2_5-.Ltmp3, $4  }
0xc0: {  	[tilespmem:s5+$0xFFFFFF90] =	vst v10  }
0xc1: {  	[tilespmem:s5+$0xFFFFFFE0] =	vst v5;
	v5 =	vld [tilespmem:s5+$0x30]  }
0xc2: {  	[tilespmem:s5+$0xFFFFFFC0] =	vst v7;
	v4 =	vld [tilespmem:s5+$0x70]  }
0xc3: {  	v3 =	vld.idx.msk [tilespmem:v6+s14+$0x0], $0xffff  }
0xc4: {  	_ =	sdelay $0x1  }
0xc5: {  	v6 =	vld [tilespmem:s13+$0x20];
	_ =	sdelay $0x1  }
0xc6: {  	v7 =	vld [tilespmem:s13+$0x60];
	v1 =	vmul.f32 v1, v3  }
0xc7: {  	v8 =	vld [tilespmem:s13+$0x40];
	v5 =	vmul.f32 v5, v3  }
0xc8: {  	v9 =	vld [tilespmem:s13+$0x50];
	v2 =	vmul.f32 v2, v3;
	[tilespmem:s13+$0x0] =	vst v1  }
0xc9: {  	v63 =	vmul.f32 v6, v3;
	[tilespmem:s13+$0x30] =	vst v5  }
0xca: {  	v1 =	vmul.f32 v4, v3;
	[tilespmem:s13+$0x10] =	vst v2  }
0xcb: {  	v2 =	vmul.f32 v7, v3;
	[tilespmem:s13+$0x20] =	vst v63  }
0xcc: {  	[tilespmem:s13+$0x70] =	vst v1;
	v1 =	vmul.f32 v8, v3  }
0xcd: {  	v3 =	vmul.f32 v9, v3;
	[tilespmem:s13+$0x60] =	vst v2  }
0xce: {  	[tilespmem:s13+$0x40] =	vst v1  }
0xcf: {  	[tilespmem:s13+$0x50] =	vst v3  }
0xd0: {  	_ =	swait.ge [sflag:s26], $0x2000  }
0xd1: {  	[sflag:s26] =	ssyncset.done $0x0  }
0xd2: {  	p0 =	seq.s32 s0, $0x4F;
	[sflag:s26] =	ssyncadd.s32 $0xFFFFE000  }
0xd3: {  	v1 =	vld @!p0 [tilespmem:s1+$0x40];
	_ =	sdelay $0x4  }
0xd4: {  	v2 =	vand.u32 @!p0 $0xFFFF, v1  }
0xd5: {  	v1 =	vshrl.u32 @!p0 v1, $0x10;
	v2 =	vadd.s32 @!p0 v0, v2  }
0xd6: {  	v1 =	vadd.s32 @!p0 v0, v1;
	[tilespmem:$0x5000] =	vst @!p0 v2  }
0xd7: {  	[tilespmem:$0x5010] =	vst @!p0 v1  }
0xd8: {  	v1 =	vld @!p0 [tilespmem:s1+$0x50];
	_ =	sdelay $0x4  }
0xd9: {  	v2 =	vand.u32 @!p0 $0xFFFF, v1  }
0xda: {  	v1 =	vshrl.u32 @!p0 v1, $0x10;
	v2 =	vadd.s32 @!p0 v0, v2  }
0xdb: {  	s18 =	sshll.u32 s18, $0x5;
	v1 =	vadd.s32 @!p0 v0, v1;
	[tilespmem:$0x5020] =	vst @!p0 v2  }
0xdc: {  	s4 =	simm.s32 @!p0 $0x40;
	s5 =	simm.s32 @!p0 $0x5000;
	s6 =	simm.s32 @!p0 $0x5200;
	[tilespmem:$0x5030] =	vst @!p0 v1  }
0xdd: {  	[tilespmem:s6], [sflag:$0x1] =	stream.indirect.gather @!p0 [hbm4b:s2+s4], $0x80, s5, s4, $0xb8;
	[tilespmem:$0x1CE00] =	vst v63  }
0xde: {  	s4 =	sand.u32 $0x3FFFFFE0, s18  }
0xdf: {  	v1 =	vld [tilespmem:s4+$0x1400];
	_ =	sdelay $0x4  }
0xe0: {  	v2 =	vand.u32 $0xFFFF, v1  }
0xe1: {  	v1 =	vshrl.u32 v1, $0x10;
	[tilespmem:$0x5180] =	vst v2  }
0xe2: {  	[tilespmem:$0x5190] =	vst v1  }
0xe3: {  	v1 =	vld [tilespmem:s4+$0x1410];
	_ =	sdelay $0x4  }
0xe4: {  	v2 =	vand.u32 $0xFFFF, v1  }
0xe5: {  	v1 =	vshrl.u32 v1, $0x10;
	[tilespmem:$0x51A0] =	vst v2  }
.Ltmp4:
0xe6: {  	[tilespmem:$0x51B0] =	vst v1;
	(pc) =	sbr.rel @p0 .LBB2_8-.Ltmp4, $4  }
0xe7: {  	[spmem:s3] =	stream.indirect.scatter.add.f32 [tilespmem:s21], [sflag:$0x4], $0x80, s28, s17, $0xb8;
	[tilespmem:$0x1CE00] =	vst v63  }
0xe8: {  	_ =	swait.ge [sflag:s29], $0x2000  }
0xe9: {  	[sflag:s29] =	ssyncset.done $0x0  }
0xea: {  	[sflag:s29] =	ssyncadd.s32 $0xFFFFE000  }
0xeb: {  	v1 =	vld [tilespmem:s1+$0x60];
	_ =	sdelay $0x4  }
0xec: {  	v2 =	vand.u32 $0xFFFF, v1  }
0xed: {  	v1 =	vshrl.u32 v1, $0x10;
	v2 =	vadd.s32 v0, v2  }
0xee: {  	v1 =	vadd.s32 v0, v1;
	[tilespmem:$0x5080] =	vst v2  }
0xef: {  	[tilespmem:$0x5090] =	vst v1  }
0xf0: {  	v1 =	vld [tilespmem:s1+$0x70];
	_ =	sdelay $0x4  }
.Ltmp5:
0xf1: {  	v2 =	vand.u32 $0xFFFF, v1;
	(pc) =	sbr.rel .LBB2_2-.Ltmp5, $4  }
0xf2: {  	v1 =	vshrl.u32 v1, $0x10;
	v2 =	vadd.s32 v0, v2  }
0xf3: {  	v1 =	vadd.s32 v0, v1;
	[tilespmem:$0x50A0] =	vst v2  }
0xf4: {  	s0 =	sadd.s32 $0x1, s0;
	s31 =	sadd.s32 $0x80, s31;
	[tilespmem:$0x50B0] =	vst v1  }
0xf5: {  	[tilespmem:s21], [sflag:$0x2] =	stream.indirect.gather [hbm4b:s2+s17], $0x80, s20, s17, $0xb8;
	[tilespmem:$0x1CE00] =	vst v63  }
.LBB2_9:
0xf6: {  	_ =	sfence.sel $0x180000  }
0xf7: {  	[bflag:$0x0] =	sbarrier.arrive $0xFFFF  }
0xf8: {  	_ =	strace $0x9000004A  }
0xf9: {  	s0 =	stileid.u32;
	[bflag:$0x2] =	sbarrier.arrive $0xFFFF  }
0xfa: {  	p0 =	sne.s32 s0, $0x0;
	s0 =	rddreg [dreg:$0x3]  }
0xfb: {  	s0 =	sadd.s32 @!p0 $0x100000, s0  }
0xfc: {  	[sflag:s0] =	ssyncadd.tile.s32 @!p0 $0x1;
	_ =	shalt  }
.Lfunc_end2:
_tile_overlayer_lowered:
.L_overlay_start_2:
0xfd: {  	(tag) =	ssettag $0x2  }
0xfe: {  	s0 =	rddreg [dreg:$0x0];
	s2 =	stileid.u32  }
0xff: {  	s1 =	rddreg [dreg:$0x1];
	p0 =	sne.s32 s2, $0x0  }
0x100: {  	s3 =	rddreg [dreg:$0x2];
	[bflag:$0x3] =	sbarrier.arrive $0xFFFF;
	s2 =	simm.s32 @!p0 $0x1C05  }
0x101: {  	[timem:s3], [sflag:s2] =	dma.local @!p0 [hbm:s0], s1  }
0x102: {  	s0 =	simm.s32 @!p0 $0x5  }
0x103: {  	_ =	swait.ge @!p0 [sflag:s0], s1  }
0x104: {  	s1 =	ssub.s32 @!p0 $0x0, s1;
	[sflag:s0] =	ssyncset.done @!p0 $0x0  }
0x105: {  	[sflag:s0] =	ssyncadd.s32 @!p0 s1  }
0x106: {  	[bflag:$0x3] =	sbarrier.arrive $0xFFFF  }
0x107: {  	_ =	shalt  }

</sc_bundles>
